<compile_context>
chip_gen: v7x
topology: tpu7x:2x2x1
jax: 0.10.2.dev20260603
libtpu: 0.0.44.dev20260713+nightly
codegen_flags: <defaults>
</compile_context>

<pallas_src>
import jax
import jax.numpy as jnp
from jax import lax
from jax.experimental import pallas as pl
from jax.experimental.pallas import tpu as pltpu
from jax.experimental.pallas import tpu_sc as plsc

_E = 6400000
_K = 128
_LANES = 16
_CH = 4000
_NBUF = 5
_UNROLL = 5


def _make_kernel(n_elems, k_dim, num_cores, num_subcores, chunk, nbuf,
                 interpret=False):
    n_workers = num_cores * num_subcores
    per_tile = n_elems // n_workers
    assert per_tile * n_workers == n_elems
    n_chunks = per_tile // chunk
    assert n_chunks * chunk == per_tile and n_chunks % nbuf == 0
    n_vecs = chunk // _LANES
    assert n_vecs * _LANES == chunk
    n_groups = n_chunks // nbuf

    mesh = plsc.VectorSubcoreMesh(
        core_axis_name="c",
        subcore_axis_name="s",
        num_cores=num_cores,
        num_subcores=num_subcores,
    )

    def body(param_hbm, i1_hbm, i2_hbm, out_hbm, tbl, *rest):
        i1v = rest[0:nbuf]
        i2v = rest[nbuf:2 * nbuf]
        ov = rest[2 * nbuf:3 * nbuf]
        s1 = rest[3 * nbuf:4 * nbuf]
        s2 = rest[4 * nbuf:5 * nbuf]
        so = rest[5 * nbuf:6 * nbuf]

        wid = lax.axis_index("s") * num_cores + lax.axis_index("c")
        base = wid * per_tile
        pltpu.sync_copy(param_hbm, tbl)

        def in_start(g, b):
            off = base + g * chunk
            pltpu.async_copy(i1_hbm.at[pl.ds(off, chunk)], i1v[b], s1[b])
            pltpu.async_copy(i2_hbm.at[pl.ds(off, chunk)], i2v[b], s2[b])

        def in_wait(b):
            pltpu.make_async_copy(i1_hbm.at[pl.ds(base, chunk)], i1v[b], s1[b]).wait()
            pltpu.make_async_copy(i2_hbm.at[pl.ds(base, chunk)], i2v[b], s2[b]).wait()

        def compute(b):
            @plsc.parallel_loop(0, n_vecs, 1, unroll=_UNROLL)
            def _(i):
                a = i1v[b][pl.ds(i * _LANES, _LANES)]
                c = i2v[b][pl.ds(i * _LANES, _LANES)]
                row = jnp.minimum(a, c)
                col = jnp.maximum(a, c)
                lin = row * k_dim + col
                g16 = plsc.load_gather(tbl, [lin])
                ov[b][pl.ds(i * _LANES, _LANES)] = jnp.maximum(g16, 0.0)

        def out_start(g, b):
            off = base + g * chunk
            pltpu.async_copy(ov[b], out_hbm.at[pl.ds(off, chunk)], so[b])

        def out_wait(b):
            pltpu.make_async_copy(ov[b], out_hbm.at[pl.ds(base, chunk)], so[b]).wait()

        for b in range(nbuf):
            in_start(b, b)

        def group(gi, carry):
            g0 = gi * nbuf
            for b in range(nbuf):
                in_wait(b)

                @pl.when(gi > 0)
                def _():
                    out_wait(b)

                compute(b)
                out_start(g0 + b, b)

                @pl.when(gi < n_groups - 1)
                def _():
                    in_start(g0 + b + nbuf, b)

            return carry

        lax.fori_loop(0, n_groups, group, 0)
        for b in range(nbuf):
            out_wait(b)

    return pl.kernel(
        body,
        out_type=jax.ShapeDtypeStruct((n_elems,), jnp.float32),
        mesh=mesh,
        scratch_types=(
            [pltpu.VMEM((k_dim * k_dim,), jnp.float32)]
            + [pltpu.VMEM((chunk,), jnp.int32) for _ in range(nbuf)]
            + [pltpu.VMEM((chunk,), jnp.int32) for _ in range(nbuf)]
            + [pltpu.VMEM((chunk,), jnp.float32) for _ in range(nbuf)]
            + [pltpu.SemaphoreType.DMA for _ in range(3 * nbuf)]
        ),
        compiler_params=pltpu.CompilerParams(needs_layout_passes=False),
        interpret=interpret,
    )


@jax.jit
def kernel(param, index1, index2):
    info = plsc.get_sparse_core_info()
    f = _make_kernel(_E, _K, info.num_cores, info.num_subcores, _CH, _NBUF)
    return f(param.reshape(-1), index1, index2)

# --- scband reference (transcript-rebuilt; emitter-appended) ---
"""Pipeline reference for scband-ljparam-50697793962072 (READ-ONLY COPY).

The authoritative reference and input builder live on the scoring server;
editing this copy changes nothing except your own understanding.
"""

import jax, jax.numpy as jnp
import numpy as np

E = 6400000
K = 128

def setup_inputs(seed: int = 0) -> dict:
    key = jax.random.key(seed)
    k1, k2, k3 = jax.random.split(key, 3)
    param = jax.random.normal(k1, (K, K), dtype=jnp.float32)
    index1 = jax.random.randint(k2, (E,), 0, K, dtype=jnp.int32)
    index2 = jax.random.randint(k3, (E,), 0, K, dtype=jnp.int32)
    return {"param": param, "index1": index1, "index2": index2}

def reference(param, index1, index2):
    # if param.ndim == 2: symmetrize via upper triangle, then flat gather
    sym = jnp.triu(param) + jnp.triu(param, 1).T
    flat = sym.reshape(-1)
    lin_idx = index1 * param.shape[0] + index2
    gathered = jnp.take(flat, lin_idx, axis=0)
    return jax.nn.relu(gathered)

if __name__ == "__main__":
    import jax
    _d = setup_inputs()
    print(jax.jit(kernel)(*tuple(_d.values())))

</pallas_src>

<mosaic_0001>
#map = affine_map<(d0, d1) -> (0)>
module attributes {stable_mosaic.version = 14 : i64} {
  func.func @body(%arg0: i32, %arg1: i32, %arg2: memref<16384xf32, #tpu.memory_space<hbm>>, %arg3: memref<6400000xi32, #tpu.memory_space<hbm>>, %arg4: memref<6400000xi32, #tpu.memory_space<hbm>>, %arg5: memref<6400000xf32, #tpu.memory_space<hbm>>, %arg6: memref<16384xf32, #tpu.memory_space<vmem>>, %arg7: memref<4000xi32, #tpu.memory_space<vmem>>, %arg8: memref<4000xi32, #tpu.memory_space<vmem>>, %arg9: memref<4000xi32, #tpu.memory_space<vmem>>, %arg10: memref<4000xi32, #tpu.memory_space<vmem>>, %arg11: memref<4000xi32, #tpu.memory_space<vmem>>, %arg12: memref<4000xi32, #tpu.memory_space<vmem>>, %arg13: memref<4000xi32, #tpu.memory_space<vmem>>, %arg14: memref<4000xi32, #tpu.memory_space<vmem>>, %arg15: memref<4000xi32, #tpu.memory_space<vmem>>, %arg16: memref<4000xi32, #tpu.memory_space<vmem>>, %arg17: memref<4000xf32, #tpu.memory_space<vmem>>, %arg18: memref<4000xf32, #tpu.memory_space<vmem>>, %arg19: memref<4000xf32, #tpu.memory_space<vmem>>, %arg20: memref<4000xf32, #tpu.memory_space<vmem>>, %arg21: memref<4000xf32, #tpu.memory_space<vmem>>, %arg22: memref<!tpu.dma_semaphore, #tpu.memory_space<semaphore_mem>>, %arg23: memref<!tpu.dma_semaphore, #tpu.memory_space<semaphore_mem>>, %arg24: memref<!tpu.dma_semaphore, #tpu.memory_space<semaphore_mem>>, %arg25: memref<!tpu.dma_semaphore, #tpu.memory_space<semaphore_mem>>, %arg26: memref<!tpu.dma_semaphore, #tpu.memory_space<semaphore_mem>>, %arg27: memref<!tpu.dma_semaphore, #tpu.memory_space<semaphore_mem>>, %arg28: memref<!tpu.dma_semaphore, #tpu.memory_space<semaphore_mem>>, %arg29: memref<!tpu.dma_semaphore, #tpu.memory_space<semaphore_mem>>, %arg30: memref<!tpu.dma_semaphore, #tpu.memory_space<semaphore_mem>>, %arg31: memref<!tpu.dma_semaphore, #tpu.memory_space<semaphore_mem>>, %arg32: memref<!tpu.dma_semaphore, #tpu.memory_space<semaphore_mem>>, %arg33: memref<!tpu.dma_semaphore, #tpu.memory_space<semaphore_mem>>, %arg34: memref<!tpu.dma_semaphore, #tpu.memory_space<semaphore_mem>>, %arg35: memref<!tpu.dma_semaphore, #tpu.memory_space<semaphore_mem>>, %arg36: memref<!tpu.dma_semaphore, #tpu.memory_space<semaphore_mem>>) attributes {dimension_semantics = [#tpu.dimension_semantics<core_parallel>, #tpu.dimension_semantics<subcore_parallel>], iteration_bounds = array<i64: 2, 16>, scalar_prefetch = 0 : i64, scratch_operands = 31 : i64, tpu.core_type = #tpu.core_type<sc_vector_subcore>, window_params = [{transform_indices = #map}, {transform_indices = #map}, {transform_indices = #map}, {transform_indices = #map}]} {
    %mul3A = arith.constant 2 : i32
    %mul3A_0 = arith.muli %arg1, %mul3A : i32
    %add3A = arith.addi %mul3A_0, %arg0 : i32
    %mul3A_1 = arith.constant 200000 : i32
    %mul3A_2 = arith.muli %add3A, %mul3A_1 : i32
    "tpu.region"() ({
      %run_scoped3A = tpu.sem_alloc : memref<!tpu.dma_semaphore, #tpu.memory_space<semaphore_mem>>
      tpu.enqueue_dma source(%arg2 : memref<16384xf32, #tpu.memory_space<hbm>>) target(%arg6 : memref<16384xf32, #tpu.memory_space<vmem>>) target_semaphore(%run_scoped3A : memref<!tpu.dma_semaphore, #tpu.memory_space<semaphore_mem>>)
      tpu.wait_dma2 semaphore(%run_scoped3A : memref<!tpu.dma_semaphore, #tpu.memory_space<semaphore_mem>>) src(%arg2 : memref<16384xf32, #tpu.memory_space<hbm>>) dst(%arg6 : memref<16384xf32, #tpu.memory_space<vmem>>)
      tpu.yield
    }) : () -> ()
    %add3A_3 = arith.constant 0 : i32
    %add3A_4 = arith.addi %mul3A_2, %add3A_3 : i32
    %dma_start3A = tpu.memref_slice %arg3[%add3A_4] : memref<6400000xi32, #tpu.memory_space<hbm>> -> memref<4000xi32, #tpu.memory_space<hbm>>
    %dma_start3A_5 = tpu.memref_slice %arg3[%add3A_4] : memref<6400000xi32, #tpu.memory_space<hbm>> -> memref<4000xi32, #tpu.memory_space<hbm>>
    tpu.enqueue_dma source(%dma_start3A_5 : memref<4000xi32, #tpu.memory_space<hbm>>) target(%arg7 : memref<4000xi32, #tpu.memory_space<vmem>>) target_semaphore(%arg22 : memref<!tpu.dma_semaphore, #tpu.memory_space<semaphore_mem>>)
    %dma_start3A_6 = tpu.memref_slice %arg4[%add3A_4] : memref<6400000xi32, #tpu.memory_space<hbm>> -> memref<4000xi32, #tpu.memory_space<hbm>>
    %dma_start3A_7 = tpu.memref_slice %arg4[%add3A_4] : memref<6400000xi32, #tpu.memory_space<hbm>> -> memref<4000xi32, #tpu.memory_space<hbm>>
    tpu.enqueue_dma source(%dma_start3A_7 : memref<4000xi32, #tpu.memory_space<hbm>>) target(%arg12 : memref<4000xi32, #tpu.memory_space<vmem>>) target_semaphore(%arg27 : memref<!tpu.dma_semaphore, #tpu.memory_space<semaphore_mem>>)
    %add3A_8 = arith.constant 4000 : i32
    %add3A_9 = arith.addi %mul3A_2, %add3A_8 : i32
    %dma_start3A_10 = tpu.memref_slice %arg3[%add3A_9] : memref<6400000xi32, #tpu.memory_space<hbm>> -> memref<4000xi32, #tpu.memory_space<hbm>>
    %dma_start3A_11 = tpu.memref_slice %arg3[%add3A_9] : memref<6400000xi32, #tpu.memory_space<hbm>> -> memref<4000xi32, #tpu.memory_space<hbm>>
    tpu.enqueue_dma source(%dma_start3A_11 : memref<4000xi32, #tpu.memory_space<hbm>>) target(%arg8 : memref<4000xi32, #tpu.memory_space<vmem>>) target_semaphore(%arg23 : memref<!tpu.dma_semaphore, #tpu.memory_space<semaphore_mem>>)
    %dma_start3A_12 = tpu.memref_slice %arg4[%add3A_9] : memref<6400000xi32, #tpu.memory_space<hbm>> -> memref<4000xi32, #tpu.memory_space<hbm>>
    %dma_start3A_13 = tpu.memref_slice %arg4[%add3A_9] : memref<6400000xi32, #tpu.memory_space<hbm>> -> memref<4000xi32, #tpu.memory_space<hbm>>
    tpu.enqueue_dma source(%dma_start3A_13 : memref<4000xi32, #tpu.memory_space<hbm>>) target(%arg13 : memref<4000xi32, #tpu.memory_space<vmem>>) target_semaphore(%arg28 : memref<!tpu.dma_semaphore, #tpu.memory_space<semaphore_mem>>)
    %add3A_14 = arith.constant 8000 : i32
    %add3A_15 = arith.addi %mul3A_2, %add3A_14 : i32
    %dma_start3A_16 = tpu.memref_slice %arg3[%add3A_15] : memref<6400000xi32, #tpu.memory_space<hbm>> -> memref<4000xi32, #tpu.memory_space<hbm>>
    %dma_start3A_17 = tpu.memref_slice %arg3[%add3A_15] : memref<6400000xi32, #tpu.memory_space<hbm>> -> memref<4000xi32, #tpu.memory_space<hbm>>
    tpu.enqueue_dma source(%dma_start3A_17 : memref<4000xi32, #tpu.memory_space<hbm>>) target(%arg9 : memref<4000xi32, #tpu.memory_space<vmem>>) target_semaphore(%arg24 : memref<!tpu.dma_semaphore, #tpu.memory_space<semaphore_mem>>)
    %dma_start3A_18 = tpu.memref_slice %arg4[%add3A_15] : memref<6400000xi32, #tpu.memory_space<hbm>> -> memref<4000xi32, #tpu.memory_space<hbm>>
    %dma_start3A_19 = tpu.memref_slice %arg4[%add3A_15] : memref<6400000xi32, #tpu.memory_space<hbm>> -> memref<4000xi32, #tpu.memory_space<hbm>>
    tpu.enqueue_dma source(%dma_start3A_19 : memref<4000xi32, #tpu.memory_space<hbm>>) target(%arg14 : memref<4000xi32, #tpu.memory_space<vmem>>) target_semaphore(%arg29 : memref<!tpu.dma_semaphore, #tpu.memory_space<semaphore_mem>>)
    %add3A_20 = arith.constant 12000 : i32
    %add3A_21 = arith.addi %mul3A_2, %add3A_20 : i32
    %dma_start3A_22 = tpu.memref_slice %arg3[%add3A_21] : memref<6400000xi32, #tpu.memory_space<hbm>> -> memref<4000xi32, #tpu.memory_space<hbm>>
    %dma_start3A_23 = tpu.memref_slice %arg3[%add3A_21] : memref<6400000xi32, #tpu.memory_space<hbm>> -> memref<4000xi32, #tpu.memory_space<hbm>>
    tpu.enqueue_dma source(%dma_start3A_23 : memref<4000xi32, #tpu.memory_space<hbm>>) target(%arg10 : memref<4000xi32, #tpu.memory_space<vmem>>) target_semaphore(%arg25 : memref<!tpu.dma_semaphore, #tpu.memory_space<semaphore_mem>>)
    %dma_start3A_24 = tpu.memref_slice %arg4[%add3A_21] : memref<6400000xi32, #tpu.memory_space<hbm>> -> memref<4000xi32, #tpu.memory_space<hbm>>
    %dma_start3A_25 = tpu.memref_slice %arg4[%add3A_21] : memref<6400000xi32, #tpu.memory_space<hbm>> -> memref<4000xi32, #tpu.memory_space<hbm>>
    tpu.enqueue_dma source(%dma_start3A_25 : memref<4000xi32, #tpu.memory_space<hbm>>) target(%arg15 : memref<4000xi32, #tpu.memory_space<vmem>>) target_semaphore(%arg30 : memref<!tpu.dma_semaphore, #tpu.memory_space<semaphore_mem>>)
    %add3A_26 = arith.constant 16000 : i32
    %add3A_27 = arith.addi %mul3A_2, %add3A_26 : i32
    %dma_start3A_28 = tpu.memref_slice %arg3[%add3A_27] : memref<6400000xi32, #tpu.memory_space<hbm>> -> memref<4000xi32, #tpu.memory_space<hbm>>
    %dma_start3A_29 = tpu.memref_slice %arg3[%add3A_27] : memref<6400000xi32, #tpu.memory_space<hbm>> -> memref<4000xi32, #tpu.memory_space<hbm>>
    tpu.enqueue_dma source(%dma_start3A_29 : memref<4000xi32, #tpu.memory_space<hbm>>) target(%arg11 : memref<4000xi32, #tpu.memory_space<vmem>>) target_semaphore(%arg26 : memref<!tpu.dma_semaphore, #tpu.memory_space<semaphore_mem>>)
    %dma_start3A_30 = tpu.memref_slice %arg4[%add3A_27] : memref<6400000xi32, #tpu.memory_space<hbm>> -> memref<4000xi32, #tpu.memory_space<hbm>>
    %dma_start3A_31 = tpu.memref_slice %arg4[%add3A_27] : memref<6400000xi32, #tpu.memory_space<hbm>> -> memref<4000xi32, #tpu.memory_space<hbm>>
    tpu.enqueue_dma source(%dma_start3A_31 : memref<4000xi32, #tpu.memory_space<hbm>>) target(%arg16 : memref<4000xi32, #tpu.memory_space<vmem>>) target_semaphore(%arg31 : memref<!tpu.dma_semaphore, #tpu.memory_space<semaphore_mem>>)
    %scan3A = arith.constant 0 : i32
    %scan3A_32 = arith.constant 0 : i32
    %scan3A_33 = arith.constant 10 : i32
    %scan3A_34 = arith.addi %scan3A_32, %scan3A_33 : i32
    %scan3A_35 = arith.constant 1 : i32
    scf.for %scan3A_46 = %scan3A_32 to %scan3A_34 step %scan3A_35  : i32 {
      %mul3A_47 = arith.constant 5 : i32
      %mul3A_48 = arith.muli %scan3A_46, %mul3A_47 : i32
      %dma_wait3A_49 = tpu.memref_slice %arg3[%mul3A_2] : memref<6400000xi32, #tpu.memory_space<hbm>> -> memref<4000xi32, #tpu.memory_space<hbm>>
      %dma_wait3A_50 = tpu.memref_slice %arg3[%mul3A_2] : memref<6400000xi32, #tpu.memory_space<hbm>> -> memref<4000xi32, #tpu.memory_space<hbm>>
      tpu.wait_dma2 semaphore(%arg22 : memref<!tpu.dma_semaphore, #tpu.memory_space<semaphore_mem>>) src(%dma_wait3A_50 : memref<4000xi32, #tpu.memory_space<hbm>>) dst(%arg7 : memref<4000xi32, #tpu.memory_space<vmem>>)
      %dma_wait3A_51 = tpu.memref_slice %arg4[%mul3A_2] : memref<6400000xi32, #tpu.memory_space<hbm>> -> memref<4000xi32, #tpu.memory_space<hbm>>
      %dma_wait3A_52 = tpu.memref_slice %arg4[%mul3A_2] : memref<6400000xi32, #tpu.memory_space<hbm>> -> memref<4000xi32, #tpu.memory_space<hbm>>
      tpu.wait_dma2 semaphore(%arg27 : memref<!tpu.dma_semaphore, #tpu.memory_space<semaphore_mem>>) src(%dma_wait3A_52 : memref<4000xi32, #tpu.memory_space<hbm>>) dst(%arg12 : memref<4000xi32, #tpu.memory_space<vmem>>)
      %gt3A = arith.constant 0 : i32
      %gt3A_53 = arith.cmpi sgt, %scan3A_46, %gt3A : i32
      %convert_element_type3A = arith.extui %gt3A_53 : i1 to i32
      %cond3A = arith.constant 0 : i32
      %cond3A_54 = arith.cmpi ne, %convert_element_type3A, %cond3A : i32
      scf.if %cond3A_54 {
        %dma_wait3A_164 = tpu.memref_slice %arg5[%mul3A_2] : memref<6400000xf32, #tpu.memory_space<hbm>> -> memref<4000xf32, #tpu.memory_space<hbm>>
        %dma_wait3A_165 = tpu.memref_slice %arg5[%mul3A_2] : memref<6400000xf32, #tpu.memory_space<hbm>> -> memref<4000xf32, #tpu.memory_space<hbm>>
        tpu.wait_dma2 semaphore(%arg32 : memref<!tpu.dma_semaphore, #tpu.memory_space<semaphore_mem>>) src(%arg17 : memref<4000xf32, #tpu.memory_space<vmem>>) dst(%dma_wait3A_165 : memref<4000xf32, #tpu.memory_space<hbm>>)
      } else {
      }
      %parallel_loop3A = arith.constant 0 : i32
      %parallel_loop3A_55 = arith.constant 250 : i32
      %parallel_loop3A_56 = arith.constant 1 : i32
      scf.for %parallel_loop3A_164 = %parallel_loop3A to %parallel_loop3A_55 step %parallel_loop3A_56  : i32 {
        %parallel_loop3A_165 = arith.constant 16 : i32
        %parallel_loop3A_166 = arith.muli %parallel_loop3A_164, %parallel_loop3A_165 : i32
        %parallel_loop3A_167 = arith.index_cast %parallel_loop3A_166 : i32 to index
        %parallel_loop3A_168 = tpu.vector_load %arg7[%parallel_loop3A_167] {strides = array<i32>} : memref<4000xi32, #tpu.memory_space<vmem>>, vector<16xi32>,
        %parallel_loop3A_169 = arith.constant 16 : i32
        %parallel_loop3A_170 = arith.muli %parallel_loop3A_164, %parallel_loop3A_169 : i32
        %parallel_loop3A_171 = arith.index_cast %parallel_loop3A_170 : i32 to index
        %parallel_loop3A_172 = tpu.vector_load %arg12[%parallel_loop3A_171] {strides = array<i32>} : memref<4000xi32, #tpu.memory_space<vmem>>, vector<16xi32>,
        %parallel_loop3A_173 = arith.minsi %parallel_loop3A_168, %parallel_loop3A_172 : vector<16xi32>
        %parallel_loop3A_174 = arith.maxsi %parallel_loop3A_168, %parallel_loop3A_172 : vector<16xi32>
        %parallel_loop3A_175 = arith.constant 128 : i32
        %parallel_loop3A_176 = vector.broadcast %parallel_loop3A_175 : i32 to vector<16xi32>
        %parallel_loop3A_177 = arith.muli %parallel_loop3A_173, %parallel_loop3A_176 : vector<16xi32>
        %parallel_loop3A_178 = arith.addi %parallel_loop3A_177, %parallel_loop3A_174 : vector<16xi32>
        %parallel_loop3A_179 = tpu.vector_load_idx %arg6[%parallel_loop3A_178] : memref<16384xf32, #tpu.memory_space<vmem>>[vector<16xi32>], vector<16xf32>,
        %parallel_loop3A_180 = arith.constant 0.000000e+00 : f32
        %parallel_loop3A_181 = vector.broadcast %parallel_loop3A_180 : f32 to vector<16xf32>
        %parallel_loop3A_182 = arith.maximumf %parallel_loop3A_179, %parallel_loop3A_181 : vector<16xf32>
        %parallel_loop3A_183 = arith.constant 16 : i32
        %parallel_loop3A_184 = arith.muli %parallel_loop3A_164, %parallel_loop3A_183 : i32
        %parallel_loop3A_185 = arith.index_cast %parallel_loop3A_184 : i32 to index
        %parallel_loop3A_186 = tpu.vector_load %arg17[%parallel_loop3A_185] {strides = array<i32>} : memref<4000xf32, #tpu.memory_space<vmem>>, vector<16xf32>,
        tpu.vector_store %arg17[%parallel_loop3A_185], %parallel_loop3A_182 {strides = array<i32>} : memref<4000xf32, #tpu.memory_space<vmem>>, vector<16xf32>,
      } {sc.loop_unroll_factor = 5 : i64, sc.parallel_access}
      %add3A_57 = arith.constant 0 : i32
      %add3A_58 = arith.addi %mul3A_48, %add3A_57 : i32
      %mul3A_59 = arith.constant 4000 : i32
      %mul3A_60 = arith.muli %add3A_58, %mul3A_59 : i32
      %add3A_61 = arith.addi %mul3A_2, %mul3A_60 : i32
      %dma_start3A_62 = tpu.memref_slice %arg5[%add3A_61] : memref<6400000xf32, #tpu.memory_space<hbm>> -> memref<4000xf32, #tpu.memory_space<hbm>>
      %dma_start3A_63 = tpu.memref_slice %arg5[%add3A_61] : memref<6400000xf32, #tpu.memory_space<hbm>> -> memref<4000xf32, #tpu.memory_space<hbm>>
      tpu.enqueue_dma source(%arg17 : memref<4000xf32, #tpu.memory_space<vmem>>) target(%dma_start3A_63 : memref<4000xf32, #tpu.memory_space<hbm>>) target_semaphore(%arg32 : memref<!tpu.dma_semaphore, #tpu.memory_space<semaphore_mem>>)
      %lt3A = arith.constant 9 : i32
      %lt3A_64 = arith.cmpi slt, %scan3A_46, %lt3A : i32
      %convert_element_type3A_65 = arith.extui %lt3A_64 : i1 to i32
      %cond3A_66 = arith.constant 0 : i32
      %cond3A_67 = arith.cmpi ne, %convert_element_type3A_65, %cond3A_66 : i32
      scf.if %cond3A_67 {
        %add3A_164 = arith.constant 0 : i32
        %add3A_165 = arith.addi %mul3A_48, %add3A_164 : i32
        %add3A_166 = arith.constant 5 : i32
        %add3A_167 = arith.addi %add3A_165, %add3A_166 : i32
        %mul3A_168 = arith.constant 4000 : i32
        %mul3A_169 = arith.muli %add3A_167, %mul3A_168 : i32
        %add3A_170 = arith.addi %mul3A_2, %mul3A_169 : i32
        %dma_start3A_171 = tpu.memref_slice %arg3[%add3A_170] : memref<6400000xi32, #tpu.memory_space<hbm>> -> memref<4000xi32, #tpu.memory_space<hbm>>
        %dma_start3A_172 = tpu.memref_slice %arg3[%add3A_170] : memref<6400000xi32, #tpu.memory_space<hbm>> -> memref<4000xi32, #tpu.memory_space<hbm>>
        tpu.enqueue_dma source(%dma_start3A_172 : memref<4000xi32, #tpu.memory_space<hbm>>) target(%arg7 : memref<4000xi32, #tpu.memory_space<vmem>>) target_semaphore(%arg22 : memref<!tpu.dma_semaphore, #tpu.memory_space<semaphore_mem>>)
        %dma_start3A_173 = tpu.memref_slice %arg4[%add3A_170] : memref<6400000xi32, #tpu.memory_space<hbm>> -> memref<4000xi32, #tpu.memory_space<hbm>>
        %dma_start3A_174 = tpu.memref_slice %arg4[%add3A_170] : memref<6400000xi32, #tpu.memory_space<hbm>> -> memref<4000xi32, #tpu.memory_space<hbm>>
        tpu.enqueue_dma source(%dma_start3A_174 : memref<4000xi32, #tpu.memory_space<hbm>>) target(%arg12 : memref<4000xi32, #tpu.memory_space<vmem>>) target_semaphore(%arg27 : memref<!tpu.dma_semaphore, #tpu.memory_space<semaphore_mem>>)
      } else {
      }
      %dma_wait3A_68 = tpu.memref_slice %arg3[%mul3A_2] : memref<6400000xi32, #tpu.memory_space<hbm>> -> memref<4000xi32, #tpu.memory_space<hbm>>
      %dma_wait3A_69 = tpu.memref_slice %arg3[%mul3A_2] : memref<6400000xi32, #tpu.memory_space<hbm>> -> memref<4000xi32, #tpu.memory_space<hbm>>
      tpu.wait_dma2 semaphore(%arg23 : memref<!tpu.dma_semaphore, #tpu.memory_space<semaphore_mem>>) src(%dma_wait3A_69 : memref<4000xi32, #tpu.memory_space<hbm>>) dst(%arg8 : memref<4000xi32, #tpu.memory_space<vmem>>)
      %dma_wait3A_70 = tpu.memref_slice %arg4[%mul3A_2] : memref<6400000xi32, #tpu.memory_space<hbm>> -> memref<4000xi32, #tpu.memory_space<hbm>>
      %dma_wait3A_71 = tpu.memref_slice %arg4[%mul3A_2] : memref<6400000xi32, #tpu.memory_space<hbm>> -> memref<4000xi32, #tpu.memory_space<hbm>>
      tpu.wait_dma2 semaphore(%arg28 : memref<!tpu.dma_semaphore, #tpu.memory_space<semaphore_mem>>) src(%dma_wait3A_71 : memref<4000xi32, #tpu.memory_space<hbm>>) dst(%arg13 : memref<4000xi32, #tpu.memory_space<vmem>>)
      %gt3A_72 = arith.constant 0 : i32
      %gt3A_73 = arith.cmpi sgt, %scan3A_46, %gt3A_72 : i32
      %convert_element_type3A_74 = arith.extui %gt3A_73 : i1 to i32
      %cond3A_75 = arith.constant 0 : i32
      %cond3A_76 = arith.cmpi ne, %convert_element_type3A_74, %cond3A_75 : i32
      scf.if %cond3A_76 {
        %dma_wait3A_164 = tpu.memref_slice %arg5[%mul3A_2] : memref<6400000xf32, #tpu.memory_space<hbm>> -> memref<4000xf32, #tpu.memory_space<hbm>>
        %dma_wait3A_165 = tpu.memref_slice %arg5[%mul3A_2] : memref<6400000xf32, #tpu.memory_space<hbm>> -> memref<4000xf32, #tpu.memory_space<hbm>>
        tpu.wait_dma2 semaphore(%arg33 : memref<!tpu.dma_semaphore, #tpu.memory_space<semaphore_mem>>) src(%arg18 : memref<4000xf32, #tpu.memory_space<vmem>>) dst(%dma_wait3A_165 : memref<4000xf32, #tpu.memory_space<hbm>>)
      } else {
      }
      %parallel_loop3A_77 = arith.constant 0 : i32
      %parallel_loop3A_78 = arith.constant 250 : i32
      %parallel_loop3A_79 = arith.constant 1 : i32
      scf.for %parallel_loop3A_164 = %parallel_loop3A_77 to %parallel_loop3A_78 step %parallel_loop3A_79  : i32 {
        %parallel_loop3A_165 = arith.constant 16 : i32
        %parallel_loop3A_166 = arith.muli %parallel_loop3A_164, %parallel_loop3A_165 : i32
        %parallel_loop3A_167 = arith.index_cast %parallel_loop3A_166 : i32 to index
        %parallel_loop3A_168 = tpu.vector_load %arg8[%parallel_loop3A_167] {strides = array<i32>} : memref<4000xi32, #tpu.memory_space<vmem>>, vector<16xi32>,
        %parallel_loop3A_169 = arith.constant 16 : i32
        %parallel_loop3A_170 = arith.muli %parallel_loop3A_164, %parallel_loop3A_169 : i32
        %parallel_loop3A_171 = arith.index_cast %parallel_loop3A_170 : i32 to index
        %parallel_loop3A_172 = tpu.vector_load %arg13[%parallel_loop3A_171] {strides = array<i32>} : memref<4000xi32, #tpu.memory_space<vmem>>, vector<16xi32>,
        %parallel_loop3A_173 = arith.minsi %parallel_loop3A_168, %parallel_loop3A_172 : vector<16xi32>
        %parallel_loop3A_174 = arith.maxsi %parallel_loop3A_168, %parallel_loop3A_172 : vector<16xi32>
        %parallel_loop3A_175 = arith.constant 128 : i32
        %parallel_loop3A_176 = vector.broadcast %parallel_loop3A_175 : i32 to vector<16xi32>
        %parallel_loop3A_177 = arith.muli %parallel_loop3A_173, %parallel_loop3A_176 : vector<16xi32>
        %parallel_loop3A_178 = arith.addi %parallel_loop3A_177, %parallel_loop3A_174 : vector<16xi32>
        %parallel_loop3A_179 = tpu.vector_load_idx %arg6[%parallel_loop3A_178] : memref<16384xf32, #tpu.memory_space<vmem>>[vector<16xi32>], vector<16xf32>,
        %parallel_loop3A_180 = arith.constant 0.000000e+00 : f32
        %parallel_loop3A_181 = vector.broadcast %parallel_loop3A_180 : f32 to vector<16xf32>
        %parallel_loop3A_182 = arith.maximumf %parallel_loop3A_179, %parallel_loop3A_181 : vector<16xf32>
        %parallel_loop3A_183 = arith.constant 16 : i32
        %parallel_loop3A_184 = arith.muli %parallel_loop3A_164, %parallel_loop3A_183 : i32
        %parallel_loop3A_185 = arith.index_cast %parallel_loop3A_184 : i32 to index
        %parallel_loop3A_186 = tpu.vector_load %arg18[%parallel_loop3A_185] {strides = array<i32>} : memref<4000xf32, #tpu.memory_space<vmem>>, vector<16xf32>,
        tpu.vector_store %arg18[%parallel_loop3A_185], %parallel_loop3A_182 {strides = array<i32>} : memref<4000xf32, #tpu.memory_space<vmem>>, vector<16xf32>,
      } {sc.loop_unroll_factor = 5 : i64, sc.parallel_access}
      %add3A_80 = arith.constant 1 : i32
      %add3A_81 = arith.addi %mul3A_48, %add3A_80 : i32
      %mul3A_82 = arith.constant 4000 : i32
      %mul3A_83 = arith.muli %add3A_81, %mul3A_82 : i32
      %add3A_84 = arith.addi %mul3A_2, %mul3A_83 : i32
      %dma_start3A_85 = tpu.memref_slice %arg5[%add3A_84] : memref<6400000xf32, #tpu.memory_space<hbm>> -> memref<4000xf32, #tpu.memory_space<hbm>>
      %dma_start3A_86 = tpu.memref_slice %arg5[%add3A_84] : memref<6400000xf32, #tpu.memory_space<hbm>> -> memref<4000xf32, #tpu.memory_space<hbm>>
      tpu.enqueue_dma source(%arg18 : memref<4000xf32, #tpu.memory_space<vmem>>) target(%dma_start3A_86 : memref<4000xf32, #tpu.memory_space<hbm>>) target_semaphore(%arg33 : memref<!tpu.dma_semaphore, #tpu.memory_space<semaphore_mem>>)
      %lt3A_87 = arith.constant 9 : i32
      %lt3A_88 = arith.cmpi slt, %scan3A_46, %lt3A_87 : i32
      %convert_element_type3A_89 = arith.extui %lt3A_88 : i1 to i32
      %cond3A_90 = arith.constant 0 : i32
      %cond3A_91 = arith.cmpi ne, %convert_element_type3A_89, %cond3A_90 : i32
      scf.if %cond3A_91 {
        %add3A_164 = arith.constant 1 : i32
        %add3A_165 = arith.addi %mul3A_48, %add3A_164 : i32
        %add3A_166 = arith.constant 5 : i32
        %add3A_167 = arith.addi %add3A_165, %add3A_166 : i32
        %mul3A_168 = arith.constant 4000 : i32
        %mul3A_169 = arith.muli %add3A_167, %mul3A_168 : i32
        %add3A_170 = arith.addi %mul3A_2, %mul3A_169 : i32
        %dma_start3A_171 = tpu.memref_slice %arg3[%add3A_170] : memref<6400000xi32, #tpu.memory_space<hbm>> -> memref<4000xi32, #tpu.memory_space<hbm>>
        %dma_start3A_172 = tpu.memref_slice %arg3[%add3A_170] : memref<6400000xi32, #tpu.memory_space<hbm>> -> memref<4000xi32, #tpu.memory_space<hbm>>
        tpu.enqueue_dma source(%dma_start3A_172 : memref<4000xi32, #tpu.memory_space<hbm>>) target(%arg8 : memref<4000xi32, #tpu.memory_space<vmem>>) target_semaphore(%arg23 : memref<!tpu.dma_semaphore, #tpu.memory_space<semaphore_mem>>)
        %dma_start3A_173 = tpu.memref_slice %arg4[%add3A_170] : memref<6400000xi32, #tpu.memory_space<hbm>> -> memref<4000xi32, #tpu.memory_space<hbm>>
        %dma_start3A_174 = tpu.memref_slice %arg4[%add3A_170] : memref<6400000xi32, #tpu.memory_space<hbm>> -> memref<4000xi32, #tpu.memory_space<hbm>>
        tpu.enqueue_dma source(%dma_start3A_174 : memref<4000xi32, #tpu.memory_space<hbm>>) target(%arg13 : memref<4000xi32, #tpu.memory_space<vmem>>) target_semaphore(%arg28 : memref<!tpu.dma_semaphore, #tpu.memory_space<semaphore_mem>>)
      } else {
      }
      %dma_wait3A_92 = tpu.memref_slice %arg3[%mul3A_2] : memref<6400000xi32, #tpu.memory_space<hbm>> -> memref<4000xi32, #tpu.memory_space<hbm>>
      %dma_wait3A_93 = tpu.memref_slice %arg3[%mul3A_2] : memref<6400000xi32, #tpu.memory_space<hbm>> -> memref<4000xi32, #tpu.memory_space<hbm>>
      tpu.wait_dma2 semaphore(%arg24 : memref<!tpu.dma_semaphore, #tpu.memory_space<semaphore_mem>>) src(%dma_wait3A_93 : memref<4000xi32, #tpu.memory_space<hbm>>) dst(%arg9 : memref<4000xi32, #tpu.memory_space<vmem>>)
      %dma_wait3A_94 = tpu.memref_slice %arg4[%mul3A_2] : memref<6400000xi32, #tpu.memory_space<hbm>> -> memref<4000xi32, #tpu.memory_space<hbm>>
      %dma_wait3A_95 = tpu.memref_slice %arg4[%mul3A_2] : memref<6400000xi32, #tpu.memory_space<hbm>> -> memref<4000xi32, #tpu.memory_space<hbm>>
      tpu.wait_dma2 semaphore(%arg29 : memref<!tpu.dma_semaphore, #tpu.memory_space<semaphore_mem>>) src(%dma_wait3A_95 : memref<4000xi32, #tpu.memory_space<hbm>>) dst(%arg14 : memref<4000xi32, #tpu.memory_space<vmem>>)
      %gt3A_96 = arith.constant 0 : i32
      %gt3A_97 = arith.cmpi sgt, %scan3A_46, %gt3A_96 : i32
      %convert_element_type3A_98 = arith.extui %gt3A_97 : i1 to i32
      %cond3A_99 = arith.constant 0 : i32
      %cond3A_100 = arith.cmpi ne, %convert_element_type3A_98, %cond3A_99 : i32
      scf.if %cond3A_100 {
        %dma_wait3A_164 = tpu.memref_slice %arg5[%mul3A_2] : memref<6400000xf32, #tpu.memory_space<hbm>> -> memref<4000xf32, #tpu.memory_space<hbm>>
        %dma_wait3A_165 = tpu.memref_slice %arg5[%mul3A_2] : memref<6400000xf32, #tpu.memory_space<hbm>> -> memref<4000xf32, #tpu.memory_space<hbm>>
        tpu.wait_dma2 semaphore(%arg34 : memref<!tpu.dma_semaphore, #tpu.memory_space<semaphore_mem>>) src(%arg19 : memref<4000xf32, #tpu.memory_space<vmem>>) dst(%dma_wait3A_165 : memref<4000xf32, #tpu.memory_space<hbm>>)
      } else {
      }
      %parallel_loop3A_101 = arith.constant 0 : i32
      %parallel_loop3A_102 = arith.constant 250 : i32
      %parallel_loop3A_103 = arith.constant 1 : i32
      scf.for %parallel_loop3A_164 = %parallel_loop3A_101 to %parallel_loop3A_102 step %parallel_loop3A_103  : i32 {
        %parallel_loop3A_165 = arith.constant 16 : i32
        %parallel_loop3A_166 = arith.muli %parallel_loop3A_164, %parallel_loop3A_165 : i32
        %parallel_loop3A_167 = arith.index_cast %parallel_loop3A_166 : i32 to index
        %parallel_loop3A_168 = tpu.vector_load %arg9[%parallel_loop3A_167] {strides = array<i32>} : memref<4000xi32, #tpu.memory_space<vmem>>, vector<16xi32>,
        %parallel_loop3A_169 = arith.constant 16 : i32
        %parallel_loop3A_170 = arith.muli %parallel_loop3A_164, %parallel_loop3A_169 : i32
        %parallel_loop3A_171 = arith.index_cast %parallel_loop3A_170 : i32 to index
        %parallel_loop3A_172 = tpu.vector_load %arg14[%parallel_loop3A_171] {strides = array<i32>} : memref<4000xi32, #tpu.memory_space<vmem>>, vector<16xi32>,
        %parallel_loop3A_173 = arith.minsi %parallel_loop3A_168, %parallel_loop3A_172 : vector<16xi32>
        %parallel_loop3A_174 = arith.maxsi %parallel_loop3A_168, %parallel_loop3A_172 : vector<16xi32>
        %parallel_loop3A_175 = arith.constant 128 : i32
        %parallel_loop3A_176 = vector.broadcast %parallel_loop3A_175 : i32 to vector<16xi32>
        %parallel_loop3A_177 = arith.muli %parallel_loop3A_173, %parallel_loop3A_176 : vector<16xi32>
        %parallel_loop3A_178 = arith.addi %parallel_loop3A_177, %parallel_loop3A_174 : vector<16xi32>
        %parallel_loop3A_179 = tpu.vector_load_idx %arg6[%parallel_loop3A_178] : memref<16384xf32, #tpu.memory_space<vmem>>[vector<16xi32>], vector<16xf32>,
        %parallel_loop3A_180 = arith.constant 0.000000e+00 : f32
        %parallel_loop3A_181 = vector.broadcast %parallel_loop3A_180 : f32 to vector<16xf32>
        %parallel_loop3A_182 = arith.maximumf %parallel_loop3A_179, %parallel_loop3A_181 : vector<16xf32>
        %parallel_loop3A_183 = arith.constant 16 : i32
        %parallel_loop3A_184 = arith.muli %parallel_loop3A_164, %parallel_loop3A_183 : i32
        %parallel_loop3A_185 = arith.index_cast %parallel_loop3A_184 : i32 to index
        %parallel_loop3A_186 = tpu.vector_load %arg19[%parallel_loop3A_185] {strides = array<i32>} : memref<4000xf32, #tpu.memory_space<vmem>>, vector<16xf32>,
        tpu.vector_store %arg19[%parallel_loop3A_185], %parallel_loop3A_182 {strides = array<i32>} : memref<4000xf32, #tpu.memory_space<vmem>>, vector<16xf32>,
      } {sc.loop_unroll_factor = 5 : i64, sc.parallel_access}
      %add3A_104 = arith.constant 2 : i32
      %add3A_105 = arith.addi %mul3A_48, %add3A_104 : i32
      %mul3A_106 = arith.constant 4000 : i32
      %mul3A_107 = arith.muli %add3A_105, %mul3A_106 : i32
      %add3A_108 = arith.addi %mul3A_2, %mul3A_107 : i32
      %dma_start3A_109 = tpu.memref_slice %arg5[%add3A_108] : memref<6400000xf32, #tpu.memory_space<hbm>> -> memref<4000xf32, #tpu.memory_space<hbm>>
      %dma_start3A_110 = tpu.memref_slice %arg5[%add3A_108] : memref<6400000xf32, #tpu.memory_space<hbm>> -> memref<4000xf32, #tpu.memory_space<hbm>>
      tpu.enqueue_dma source(%arg19 : memref<4000xf32, #tpu.memory_space<vmem>>) target(%dma_start3A_110 : memref<4000xf32, #tpu.memory_space<hbm>>) target_semaphore(%arg34 : memref<!tpu.dma_semaphore, #tpu.memory_space<semaphore_mem>>)
      %lt3A_111 = arith.constant 9 : i32
      %lt3A_112 = arith.cmpi slt, %scan3A_46, %lt3A_111 : i32
      %convert_element_type3A_113 = arith.extui %lt3A_112 : i1 to i32
      %cond3A_114 = arith.constant 0 : i32
      %cond3A_115 = arith.cmpi ne, %convert_element_type3A_113, %cond3A_114 : i32
      scf.if %cond3A_115 {
        %add3A_164 = arith.constant 2 : i32
        %add3A_165 = arith.addi %mul3A_48, %add3A_164 : i32
        %add3A_166 = arith.constant 5 : i32
        %add3A_167 = arith.addi %add3A_165, %add3A_166 : i32
        %mul3A_168 = arith.constant 4000 : i32
        %mul3A_169 = arith.muli %add3A_167, %mul3A_168 : i32
        %add3A_170 = arith.addi %mul3A_2, %mul3A_169 : i32
        %dma_start3A_171 = tpu.memref_slice %arg3[%add3A_170] : memref<6400000xi32, #tpu.memory_space<hbm>> -> memref<4000xi32, #tpu.memory_space<hbm>>
        %dma_start3A_172 = tpu.memref_slice %arg3[%add3A_170] : memref<6400000xi32, #tpu.memory_space<hbm>> -> memref<4000xi32, #tpu.memory_space<hbm>>
        tpu.enqueue_dma source(%dma_start3A_172 : memref<4000xi32, #tpu.memory_space<hbm>>) target(%arg9 : memref<4000xi32, #tpu.memory_space<vmem>>) target_semaphore(%arg24 : memref<!tpu.dma_semaphore, #tpu.memory_space<semaphore_mem>>)
        %dma_start3A_173 = tpu.memref_slice %arg4[%add3A_170] : memref<6400000xi32, #tpu.memory_space<hbm>> -> memref<4000xi32, #tpu.memory_space<hbm>>
        %dma_start3A_174 = tpu.memref_slice %arg4[%add3A_170] : memref<6400000xi32, #tpu.memory_space<hbm>> -> memref<4000xi32, #tpu.memory_space<hbm>>
        tpu.enqueue_dma source(%dma_start3A_174 : memref<4000xi32, #tpu.memory_space<hbm>>) target(%arg14 : memref<4000xi32, #tpu.memory_space<vmem>>) target_semaphore(%arg29 : memref<!tpu.dma_semaphore, #tpu.memory_space<semaphore_mem>>)
      } else {
      }
      %dma_wait3A_116 = tpu.memref_slice %arg3[%mul3A_2] : memref<6400000xi32, #tpu.memory_space<hbm>> -> memref<4000xi32, #tpu.memory_space<hbm>>
      %dma_wait3A_117 = tpu.memref_slice %arg3[%mul3A_2] : memref<6400000xi32, #tpu.memory_space<hbm>> -> memref<4000xi32, #tpu.memory_space<hbm>>
      tpu.wait_dma2 semaphore(%arg25 : memref<!tpu.dma_semaphore, #tpu.memory_space<semaphore_mem>>) src(%dma_wait3A_117 : memref<4000xi32, #tpu.memory_space<hbm>>) dst(%arg10 : memref<4000xi32, #tpu.memory_space<vmem>>)
      %dma_wait3A_118 = tpu.memref_slice %arg4[%mul3A_2] : memref<6400000xi32, #tpu.memory_space<hbm>> -> memref<4000xi32, #tpu.memory_space<hbm>>
      %dma_wait3A_119 = tpu.memref_slice %arg4[%mul3A_2] : memref<6400000xi32, #tpu.memory_space<hbm>> -> memref<4000xi32, #tpu.memory_space<hbm>>
      tpu.wait_dma2 semaphore(%arg30 : memref<!tpu.dma_semaphore, #tpu.memory_space<semaphore_mem>>) src(%dma_wait3A_119 : memref<4000xi32, #tpu.memory_space<hbm>>) dst(%arg15 : memref<4000xi32, #tpu.memory_space<vmem>>)
      %gt3A_120 = arith.constant 0 : i32
      %gt3A_121 = arith.cmpi sgt, %scan3A_46, %gt3A_120 : i32
      %convert_element_type3A_122 = arith.extui %gt3A_121 : i1 to i32
      %cond3A_123 = arith.constant 0 : i32
      %cond3A_124 = arith.cmpi ne, %convert_element_type3A_122, %cond3A_123 : i32
      scf.if %cond3A_124 {
        %dma_wait3A_164 = tpu.memref_slice %arg5[%mul3A_2] : memref<6400000xf32, #tpu.memory_space<hbm>> -> memref<4000xf32, #tpu.memory_space<hbm>>
        %dma_wait3A_165 = tpu.memref_slice %arg5[%mul3A_2] : memref<6400000xf32, #tpu.memory_space<hbm>> -> memref<4000xf32, #tpu.memory_space<hbm>>
        tpu.wait_dma2 semaphore(%arg35 : memref<!tpu.dma_semaphore, #tpu.memory_space<semaphore_mem>>) src(%arg20 : memref<4000xf32, #tpu.memory_space<vmem>>) dst(%dma_wait3A_165 : memref<4000xf32, #tpu.memory_space<hbm>>)
      } else {
      }
      %parallel_loop3A_125 = arith.constant 0 : i32
      %parallel_loop3A_126 = arith.constant 250 : i32
      %parallel_loop3A_127 = arith.constant 1 : i32
      scf.for %parallel_loop3A_164 = %parallel_loop3A_125 to %parallel_loop3A_126 step %parallel_loop3A_127  : i32 {
        %parallel_loop3A_165 = arith.constant 16 : i32
        %parallel_loop3A_166 = arith.muli %parallel_loop3A_164, %parallel_loop3A_165 : i32
        %parallel_loop3A_167 = arith.index_cast %parallel_loop3A_166 : i32 to index
        %parallel_loop3A_168 = tpu.vector_load %arg10[%parallel_loop3A_167] {strides = array<i32>} : memref<4000xi32, #tpu.memory_space<vmem>>, vector<16xi32>,
        %parallel_loop3A_169 = arith.constant 16 : i32
        %parallel_loop3A_170 = arith.muli %parallel_loop3A_164, %parallel_loop3A_169 : i32
        %parallel_loop3A_171 = arith.index_cast %parallel_loop3A_170 : i32 to index
        %parallel_loop3A_172 = tpu.vector_load %arg15[%parallel_loop3A_171] {strides = array<i32>} : memref<4000xi32, #tpu.memory_space<vmem>>, vector<16xi32>,
        %parallel_loop3A_173 = arith.minsi %parallel_loop3A_168, %parallel_loop3A_172 : vector<16xi32>
        %parallel_loop3A_174 = arith.maxsi %parallel_loop3A_168, %parallel_loop3A_172 : vector<16xi32>
        %parallel_loop3A_175 = arith.constant 128 : i32
        %parallel_loop3A_176 = vector.broadcast %parallel_loop3A_175 : i32 to vector<16xi32>
        %parallel_loop3A_177 = arith.muli %parallel_loop3A_173, %parallel_loop3A_176 : vector<16xi32>
        %parallel_loop3A_178 = arith.addi %parallel_loop3A_177, %parallel_loop3A_174 : vector<16xi32>
        %parallel_loop3A_179 = tpu.vector_load_idx %arg6[%parallel_loop3A_178] : memref<16384xf32, #tpu.memory_space<vmem>>[vector<16xi32>], vector<16xf32>,
        %parallel_loop3A_180 = arith.constant 0.000000e+00 : f32
        %parallel_loop3A_181 = vector.broadcast %parallel_loop3A_180 : f32 to vector<16xf32>
        %parallel_loop3A_182 = arith.maximumf %parallel_loop3A_179, %parallel_loop3A_181 : vector<16xf32>
        %parallel_loop3A_183 = arith.constant 16 : i32
        %parallel_loop3A_184 = arith.muli %parallel_loop3A_164, %parallel_loop3A_183 : i32
        %parallel_loop3A_185 = arith.index_cast %parallel_loop3A_184 : i32 to index
        %parallel_loop3A_186 = tpu.vector_load %arg20[%parallel_loop3A_185] {strides = array<i32>} : memref<4000xf32, #tpu.memory_space<vmem>>, vector<16xf32>,
        tpu.vector_store %arg20[%parallel_loop3A_185], %parallel_loop3A_182 {strides = array<i32>} : memref<4000xf32, #tpu.memory_space<vmem>>, vector<16xf32>,
      } {sc.loop_unroll_factor = 5 : i64, sc.parallel_access}
      %add3A_128 = arith.constant 3 : i32
      %add3A_129 = arith.addi %mul3A_48, %add3A_128 : i32
      %mul3A_130 = arith.constant 4000 : i32
      %mul3A_131 = arith.muli %add3A_129, %mul3A_130 : i32
      %add3A_132 = arith.addi %mul3A_2, %mul3A_131 : i32
      %dma_start3A_133 = tpu.memref_slice %arg5[%add3A_132] : memref<6400000xf32, #tpu.memory_space<hbm>> -> memref<4000xf32, #tpu.memory_space<hbm>>
      %dma_start3A_134 = tpu.memref_slice %arg5[%add3A_132] : memref<6400000xf32, #tpu.memory_space<hbm>> -> memref<4000xf32, #tpu.memory_space<hbm>>
      tpu.enqueue_dma source(%arg20 : memref<4000xf32, #tpu.memory_space<vmem>>) target(%dma_start3A_134 : memref<4000xf32, #tpu.memory_space<hbm>>) target_semaphore(%arg35 : memref<!tpu.dma_semaphore, #tpu.memory_space<semaphore_mem>>)
      %lt3A_135 = arith.constant 9 : i32
      %lt3A_136 = arith.cmpi slt, %scan3A_46, %lt3A_135 : i32
      %convert_element_type3A_137 = arith.extui %lt3A_136 : i1 to i32
      %cond3A_138 = arith.constant 0 : i32
      %cond3A_139 = arith.cmpi ne, %convert_element_type3A_137, %cond3A_138 : i32
      scf.if %cond3A_139 {
        %add3A_164 = arith.constant 3 : i32
        %add3A_165 = arith.addi %mul3A_48, %add3A_164 : i32
        %add3A_166 = arith.constant 5 : i32
        %add3A_167 = arith.addi %add3A_165, %add3A_166 : i32
        %mul3A_168 = arith.constant 4000 : i32
        %mul3A_169 = arith.muli %add3A_167, %mul3A_168 : i32
        %add3A_170 = arith.addi %mul3A_2, %mul3A_169 : i32
        %dma_start3A_171 = tpu.memref_slice %arg3[%add3A_170] : memref<6400000xi32, #tpu.memory_space<hbm>> -> memref<4000xi32, #tpu.memory_space<hbm>>
        %dma_start3A_172 = tpu.memref_slice %arg3[%add3A_170] : memref<6400000xi32, #tpu.memory_space<hbm>> -> memref<4000xi32, #tpu.memory_space<hbm>>
        tpu.enqueue_dma source(%dma_start3A_172 : memref<4000xi32, #tpu.memory_space<hbm>>) target(%arg10 : memref<4000xi32, #tpu.memory_space<vmem>>) target_semaphore(%arg25 : memref<!tpu.dma_semaphore, #tpu.memory_space<semaphore_mem>>)
        %dma_start3A_173 = tpu.memref_slice %arg4[%add3A_170] : memref<6400000xi32, #tpu.memory_space<hbm>> -> memref<4000xi32, #tpu.memory_space<hbm>>
        %dma_start3A_174 = tpu.memref_slice %arg4[%add3A_170] : memref<6400000xi32, #tpu.memory_space<hbm>> -> memref<4000xi32, #tpu.memory_space<hbm>>
        tpu.enqueue_dma source(%dma_start3A_174 : memref<4000xi32, #tpu.memory_space<hbm>>) target(%arg15 : memref<4000xi32, #tpu.memory_space<vmem>>) target_semaphore(%arg30 : memref<!tpu.dma_semaphore, #tpu.memory_space<semaphore_mem>>)
      } else {
      }
      %dma_wait3A_140 = tpu.memref_slice %arg3[%mul3A_2] : memref<6400000xi32, #tpu.memory_space<hbm>> -> memref<4000xi32, #tpu.memory_space<hbm>>
      %dma_wait3A_141 = tpu.memref_slice %arg3[%mul3A_2] : memref<6400000xi32, #tpu.memory_space<hbm>> -> memref<4000xi32, #tpu.memory_space<hbm>>
      tpu.wait_dma2 semaphore(%arg26 : memref<!tpu.dma_semaphore, #tpu.memory_space<semaphore_mem>>) src(%dma_wait3A_141 : memref<4000xi32, #tpu.memory_space<hbm>>) dst(%arg11 : memref<4000xi32, #tpu.memory_space<vmem>>)
      %dma_wait3A_142 = tpu.memref_slice %arg4[%mul3A_2] : memref<6400000xi32, #tpu.memory_space<hbm>> -> memref<4000xi32, #tpu.memory_space<hbm>>
      %dma_wait3A_143 = tpu.memref_slice %arg4[%mul3A_2] : memref<6400000xi32, #tpu.memory_space<hbm>> -> memref<4000xi32, #tpu.memory_space<hbm>>
      tpu.wait_dma2 semaphore(%arg31 : memref<!tpu.dma_semaphore, #tpu.memory_space<semaphore_mem>>) src(%dma_wait3A_143 : memref<4000xi32, #tpu.memory_space<hbm>>) dst(%arg16 : memref<4000xi32, #tpu.memory_space<vmem>>)
      %gt3A_144 = arith.constant 0 : i32
      %gt3A_145 = arith.cmpi sgt, %scan3A_46, %gt3A_144 : i32
      %convert_element_type3A_146 = arith.extui %gt3A_145 : i1 to i32
      %cond3A_147 = arith.constant 0 : i32
      %cond3A_148 = arith.cmpi ne, %convert_element_type3A_146, %cond3A_147 : i32
      scf.if %cond3A_148 {
        %dma_wait3A_164 = tpu.memref_slice %arg5[%mul3A_2] : memref<6400000xf32, #tpu.memory_space<hbm>> -> memref<4000xf32, #tpu.memory_space<hbm>>
        %dma_wait3A_165 = tpu.memref_slice %arg5[%mul3A_2] : memref<6400000xf32, #tpu.memory_space<hbm>> -> memref<4000xf32, #tpu.memory_space<hbm>>
        tpu.wait_dma2 semaphore(%arg36 : memref<!tpu.dma_semaphore, #tpu.memory_space<semaphore_mem>>) src(%arg21 : memref<4000xf32, #tpu.memory_space<vmem>>) dst(%dma_wait3A_165 : memref<4000xf32, #tpu.memory_space<hbm>>)
      } else {
      }
      %parallel_loop3A_149 = arith.constant 0 : i32
      %parallel_loop3A_150 = arith.constant 250 : i32
      %parallel_loop3A_151 = arith.constant 1 : i32
      scf.for %parallel_loop3A_164 = %parallel_loop3A_149 to %parallel_loop3A_150 step %parallel_loop3A_151  : i32 {
        %parallel_loop3A_165 = arith.constant 16 : i32
        %parallel_loop3A_166 = arith.muli %parallel_loop3A_164, %parallel_loop3A_165 : i32
        %parallel_loop3A_167 = arith.index_cast %parallel_loop3A_166 : i32 to index
        %parallel_loop3A_168 = tpu.vector_load %arg11[%parallel_loop3A_167] {strides = array<i32>} : memref<4000xi32, #tpu.memory_space<vmem>>, vector<16xi32>,
        %parallel_loop3A_169 = arith.constant 16 : i32
        %parallel_loop3A_170 = arith.muli %parallel_loop3A_164, %parallel_loop3A_169 : i32
        %parallel_loop3A_171 = arith.index_cast %parallel_loop3A_170 : i32 to index
        %parallel_loop3A_172 = tpu.vector_load %arg16[%parallel_loop3A_171] {strides = array<i32>} : memref<4000xi32, #tpu.memory_space<vmem>>, vector<16xi32>,
        %parallel_loop3A_173 = arith.minsi %parallel_loop3A_168, %parallel_loop3A_172 : vector<16xi32>
        %parallel_loop3A_174 = arith.maxsi %parallel_loop3A_168, %parallel_loop3A_172 : vector<16xi32>
        %parallel_loop3A_175 = arith.constant 128 : i32
        %parallel_loop3A_176 = vector.broadcast %parallel_loop3A_175 : i32 to vector<16xi32>
        %parallel_loop3A_177 = arith.muli %parallel_loop3A_173, %parallel_loop3A_176 : vector<16xi32>
        %parallel_loop3A_178 = arith.addi %parallel_loop3A_177, %parallel_loop3A_174 : vector<16xi32>
        %parallel_loop3A_179 = tpu.vector_load_idx %arg6[%parallel_loop3A_178] : memref<16384xf32, #tpu.memory_space<vmem>>[vector<16xi32>], vector<16xf32>,
        %parallel_loop3A_180 = arith.constant 0.000000e+00 : f32
        %parallel_loop3A_181 = vector.broadcast %parallel_loop3A_180 : f32 to vector<16xf32>
        %parallel_loop3A_182 = arith.maximumf %parallel_loop3A_179, %parallel_loop3A_181 : vector<16xf32>
        %parallel_loop3A_183 = arith.constant 16 : i32
        %parallel_loop3A_184 = arith.muli %parallel_loop3A_164, %parallel_loop3A_183 : i32
        %parallel_loop3A_185 = arith.index_cast %parallel_loop3A_184 : i32 to index
        %parallel_loop3A_186 = tpu.vector_load %arg21[%parallel_loop3A_185] {strides = array<i32>} : memref<4000xf32, #tpu.memory_space<vmem>>, vector<16xf32>,
        tpu.vector_store %arg21[%parallel_loop3A_185], %parallel_loop3A_182 {strides = array<i32>} : memref<4000xf32, #tpu.memory_space<vmem>>, vector<16xf32>,
      } {sc.loop_unroll_factor = 5 : i64, sc.parallel_access}
      %add3A_152 = arith.constant 4 : i32
      %add3A_153 = arith.addi %mul3A_48, %add3A_152 : i32
      %mul3A_154 = arith.constant 4000 : i32
      %mul3A_155 = arith.muli %add3A_153, %mul3A_154 : i32
      %add3A_156 = arith.addi %mul3A_2, %mul3A_155 : i32
      %dma_start3A_157 = tpu.memref_slice %arg5[%add3A_156] : memref<6400000xf32, #tpu.memory_space<hbm>> -> memref<4000xf32, #tpu.memory_space<hbm>>
      %dma_start3A_158 = tpu.memref_slice %arg5[%add3A_156] : memref<6400000xf32, #tpu.memory_space<hbm>> -> memref<4000xf32, #tpu.memory_space<hbm>>
      tpu.enqueue_dma source(%arg21 : memref<4000xf32, #tpu.memory_space<vmem>>) target(%dma_start3A_158 : memref<4000xf32, #tpu.memory_space<hbm>>) target_semaphore(%arg36 : memref<!tpu.dma_semaphore, #tpu.memory_space<semaphore_mem>>)
      %lt3A_159 = arith.constant 9 : i32
      %lt3A_160 = arith.cmpi slt, %scan3A_46, %lt3A_159 : i32
      %convert_element_type3A_161 = arith.extui %lt3A_160 : i1 to i32
      %cond3A_162 = arith.constant 0 : i32
      %cond3A_163 = arith.cmpi ne, %convert_element_type3A_161, %cond3A_162 : i32
      scf.if %cond3A_163 {
        %add3A_164 = arith.constant 4 : i32
        %add3A_165 = arith.addi %mul3A_48, %add3A_164 : i32
        %add3A_166 = arith.constant 5 : i32
        %add3A_167 = arith.addi %add3A_165, %add3A_166 : i32
        %mul3A_168 = arith.constant 4000 : i32
        %mul3A_169 = arith.muli %add3A_167, %mul3A_168 : i32
        %add3A_170 = arith.addi %mul3A_2, %mul3A_169 : i32
        %dma_start3A_171 = tpu.memref_slice %arg3[%add3A_170] : memref<6400000xi32, #tpu.memory_space<hbm>> -> memref<4000xi32, #tpu.memory_space<hbm>>
        %dma_start3A_172 = tpu.memref_slice %arg3[%add3A_170] : memref<6400000xi32, #tpu.memory_space<hbm>> -> memref<4000xi32, #tpu.memory_space<hbm>>
        tpu.enqueue_dma source(%dma_start3A_172 : memref<4000xi32, #tpu.memory_space<hbm>>) target(%arg11 : memref<4000xi32, #tpu.memory_space<vmem>>) target_semaphore(%arg26 : memref<!tpu.dma_semaphore, #tpu.memory_space<semaphore_mem>>)
        %dma_start3A_173 = tpu.memref_slice %arg4[%add3A_170] : memref<6400000xi32, #tpu.memory_space<hbm>> -> memref<4000xi32, #tpu.memory_space<hbm>>
        %dma_start3A_174 = tpu.memref_slice %arg4[%add3A_170] : memref<6400000xi32, #tpu.memory_space<hbm>> -> memref<4000xi32, #tpu.memory_space<hbm>>
        tpu.enqueue_dma source(%dma_start3A_174 : memref<4000xi32, #tpu.memory_space<hbm>>) target(%arg16 : memref<4000xi32, #tpu.memory_space<vmem>>) target_semaphore(%arg31 : memref<!tpu.dma_semaphore, #tpu.memory_space<semaphore_mem>>)
      } else {
      }
    }
    %scan3A_36 = arith.constant 10 : i32
    %dma_wait3A = tpu.memref_slice %arg5[%mul3A_2] : memref<6400000xf32, #tpu.memory_space<hbm>> -> memref<4000xf32, #tpu.memory_space<hbm>>
    %dma_wait3A_37 = tpu.memref_slice %arg5[%mul3A_2] : memref<6400000xf32, #tpu.memory_space<hbm>> -> memref<4000xf32, #tpu.memory_space<hbm>>
    tpu.wait_dma2 semaphore(%arg32 : memref<!tpu.dma_semaphore, #tpu.memory_space<semaphore_mem>>) src(%arg17 : memref<4000xf32, #tpu.memory_space<vmem>>) dst(%dma_wait3A_37 : memref<4000xf32, #tpu.memory_space<hbm>>)
    %dma_wait3A_38 = tpu.memref_slice %arg5[%mul3A_2] : memref<6400000xf32, #tpu.memory_space<hbm>> -> memref<4000xf32, #tpu.memory_space<hbm>>
    %dma_wait3A_39 = tpu.memref_slice %arg5[%mul3A_2] : memref<6400000xf32, #tpu.memory_space<hbm>> -> memref<4000xf32, #tpu.memory_space<hbm>>
    tpu.wait_dma2 semaphore(%arg33 : memref<!tpu.dma_semaphore, #tpu.memory_space<semaphore_mem>>) src(%arg18 : memref<4000xf32, #tpu.memory_space<vmem>>) dst(%dma_wait3A_39 : memref<4000xf32, #tpu.memory_space<hbm>>)
    %dma_wait3A_40 = tpu.memref_slice %arg5[%mul3A_2] : memref<6400000xf32, #tpu.memory_space<hbm>> -> memref<4000xf32, #tpu.memory_space<hbm>>
    %dma_wait3A_41 = tpu.memref_slice %arg5[%mul3A_2] : memref<6400000xf32, #tpu.memory_space<hbm>> -> memref<4000xf32, #tpu.memory_space<hbm>>
    tpu.wait_dma2 semaphore(%arg34 : memref<!tpu.dma_semaphore, #tpu.memory_space<semaphore_mem>>) src(%arg19 : memref<4000xf32, #tpu.memory_space<vmem>>) dst(%dma_wait3A_41 : memref<4000xf32, #tpu.memory_space<hbm>>)
    %dma_wait3A_42 = tpu.memref_slice %arg5[%mul3A_2] : memref<6400000xf32, #tpu.memory_space<hbm>> -> memref<4000xf32, #tpu.memory_space<hbm>>
    %dma_wait3A_43 = tpu.memref_slice %arg5[%mul3A_2] : memref<6400000xf32, #tpu.memory_space<hbm>> -> memref<4000xf32, #tpu.memory_space<hbm>>
    tpu.wait_dma2 semaphore(%arg35 : memref<!tpu.dma_semaphore, #tpu.memory_space<semaphore_mem>>) src(%arg20 : memref<4000xf32, #tpu.memory_space<vmem>>) dst(%dma_wait3A_43 : memref<4000xf32, #tpu.memory_space<hbm>>)
    %dma_wait3A_44 = tpu.memref_slice %arg5[%mul3A_2] : memref<6400000xf32, #tpu.memory_space<hbm>> -> memref<4000xf32, #tpu.memory_space<hbm>>
    %dma_wait3A_45 = tpu.memref_slice %arg5[%mul3A_2] : memref<6400000xf32, #tpu.memory_space<hbm>> -> memref<4000xf32, #tpu.memory_space<hbm>>
    tpu.wait_dma2 semaphore(%arg36 : memref<!tpu.dma_semaphore, #tpu.memory_space<semaphore_mem>>) src(%arg21 : memref<4000xf32, #tpu.memory_space<vmem>>) dst(%dma_wait3A_45 : memref<4000xf32, #tpu.memory_space<hbm>>)
    return
  }
}

</mosaic_0001>

<sc_bundles>
// kernel: kernel.3.cloned.1.call-start
scs
__scs_entry_jumppad:
0x0: {  	(pc) =	sbr.rel $0x88, $3  }
0x1: {  	(tag) =	ssettag $0x0;
	lr =	simm.s32 $0x1  }
0x2: {  	[smem:$0x3F9E] =	sst lr;
	_ =	strace $0xD0000000  }
0x3: {  	_ = 	snop  }
0x4: {  	_ = 	snop  }
0x5: {  	_ = 	snop  }
0x6: {  	_ = 	snop  }
0x7: {  	_ = 	snop  }
__scs_overlays_trampoline_lowered:
0x8: {  	[smem:$0x3FAD] =	sst s0  }
0x9: {  	[smem:$0x3FAE] =	sst s1  }
0xa: {  	[smem:$0x3FAF] =	sst s2  }
0xb: {  	[smem:$0x3FB0] =	sst s3  }
0xc: {  	[smem:$0x3FB1] =	sst s4  }
0xd: {  	[smem:$0x3FB2] =	sst s5  }
0xe: {  	[smem:$0x3FB3] =	sst s6  }
0xf: {  	[smem:$0x3FB4] =	sst s7  }
0x10: {  	[smem:$0x3FB5] =	sst s8  }
0x11: {  	[smem:$0x3FB6] =	sst s9;
	s0 =	simm.s32 @!p0 $0x0  }
0x12: {  	s1 =	sld [smem:$0x3F9C];
	s0 =	simm.s32 @p0 $0x1  }
0x13: {  	[smem:$0x3FB7] =	sst s0;
	s0 =	simm.s32 @!p1 $0x0  }
0x14: {  	s2 =	sld [smem:$0x3F9B];
	s0 =	simm.s32 @p1 $0x1  }
0x15: {  	[smem:$0x3FB8] =	sst s0;
	s0 =	simm.s32 @!p2 $0x0  }
0x16: {  	s3 =	sld [smem:$0x3FDB];
	s0 =	simm.s32 @p2 $0x1  }
0x17: {  	s4 =	simm.s32 $0x1BF5;
	[smem:$0x3FBA] =	sst s0  }
0x18: {  	s0 =	sld [smem:$0x3F9D];
	_ =	swait.ge [sflag:s4], $0x0  }
0x19: {  	s7 =	sld [smem:$0x3F9E]  }
0x1a: {  	s8 =	sadd.s32 $0xFFFFE003, lr  }
0x1b: {  	s9 =	sadd.s32 $0xFFFFFEF7, lr;
	s5 =	simm.s32 $0xFFFFFFFF;
	p2 =	slt.u32 s8, $0xFFFFF086  }
0x1c: {  	p1 =	slt.u32 s9, $0xF7A;
	s5 =	simm.s32 @!p2 $0x0  }
0x1d: {  	s5 =	simm.s32 @p1 $0x1;
	p0 =	seq.s32 s7, s2  }
0x1e: {  	s7 =	smul.u32 @!p0 $0xF7A, s2;
	p2 =	seq.s32 @!p0 s5, $0x0  }
0x1f: {  	s9 =	smul.u32 $0xF7A, s1;
	s8 =	simm.s32 @!p0 $0x1BF5;
	p2 =	por !p2, p0  }
0x20: {  	[sflag:s8] =	ssyncset.s32 @!p0 $0xFFFFF086;
	s6 =	sadd.s32 @!p0 s3, s7;
	s7 =	simm.s32 @!p0 $0x108  }
0x21: {  	s3 =	sadd.s32 s3, s9;
	s6 =	sadd.s32 @!p0 $0x88, s6;
	s7 =	simm.s32 @p2 $0x1082  }
0x22: {  	[simem:s7], [sflag:s8] =	dma.local @!p0 [hbm:s6], $0xF7A  }
0x23: {  	s9 =	sor.u32 $0xD0000000, s2;
	s6 =	simm.s32 $0x108;
	_ =	swait.ge @!p0 [sflag:s8], $0x0  }
0x24: {  	s3 =	sadd.s32 $0x88, s3;
	s6 =	simm.s32 @!p1 $0x1082;
	[sflag:s4] =	ssyncset.s32 $0xFFFFF086  }
0x25: {  	[simem:s6], [sflag:s4] =	dma.local [hbm:s3], $0xF7A  }
0x26: {  	[smem:$0x3F9E] =	sst s1;
	(tag) =	ssettag s2;
	_ =	strace s9  }
0x27: {  	s1 =	sld [smem:$0x3FAE]  }
0x28: {  	s2 =	sld [smem:$0x3FAF]  }
0x29: {  	s4 =	sld [smem:$0x3FB1]  }
0x2a: {  	p0 =	seq.s32 s5, $0x0;
	s5 =	sld [smem:$0x3FB2]  }
0x2b: {  	s6 =	sld [smem:$0x3FB3]  }
0x2c: {  	s7 =	sld [smem:$0x3FB4]  }
0x2d: {  	s3 =	simm.s32 $0x108;
	s8 =	sld [smem:$0x3FB5]  }
0x2e: {  	s3 =	simm.s32 @!p0 $0x1082;
	s9 =	sld [smem:$0x3FB6]  }
0x2f: {  	lr =	sadd.s32 s0, s3;
	s0 =	sld [smem:$0x3FAD]  }
0x30: {  	s3 =	sld [smem:$0x3FB0]  }
0x31: {  	[smem:$0x3FB9] =	sst s10  }
0x32: {  	s10 =	sld [smem:$0x3FB7];
	_ =	sdelay $0x3  }
0x33: {  	p0 =	seq.s32 s10, $0x1;
	s10 =	sld [smem:$0x3FB9];
	_ =	sdelay $0x3  }
0x34: {  	[smem:$0x3FB9] =	sst s10  }
0x35: {  	s10 =	sld [smem:$0x3FB8];
	_ =	sdelay $0x3  }
0x36: {  	p1 =	seq.s32 s10, $0x1;
	s10 =	sld [smem:$0x3FB9];
	_ =	sdelay $0x3  }
0x37: {  	[smem:$0x3FB9] =	sst s10  }
0x38: {  	s10 =	sld [smem:$0x3FBA]  }
0x39: {  	_ = 	snop;
	(pc) =	sbr.ind lr, $3  }
0x3a: {  	_ = 	snop  }
0x3b: {  	_ = 	snop  }
0x3c: {  	p2 =	seq.s32 s10, $0x1;
	s10 =	sld [smem:$0x3FB9]  }
0x3d: {  	_ =	shalt  }
0x3e: {  	_ =	shalt  }
0x3f: {  	_ =	shalt  }
0x40: {  	_ =	shalt  }
0x41: {  	_ =	shalt  }
0x42: {  	_ =	shalt  }
0x43: {  	_ =	shalt  }
0x44: {  	_ =	shalt  }
0x45: {  	_ =	shalt  }
0x46: {  	_ =	shalt  }
0x47: {  	_ =	shalt  }
0x48: {  	_ =	shalt  }
0x49: {  	_ =	shalt  }
0x4a: {  	_ =	shalt  }
0x4b: {  	_ =	shalt  }
0x4c: {  	_ =	shalt  }
0x4d: {  	_ =	shalt  }
0x4e: {  	_ =	shalt  }
0x4f: {  	_ =	shalt  }
0x50: {  	_ =	shalt  }
0x51: {  	_ =	shalt  }
0x52: {  	_ =	shalt  }
0x53: {  	_ =	shalt  }
0x54: {  	_ =	shalt  }
0x55: {  	_ =	shalt  }
0x56: {  	_ =	shalt  }
0x57: {  	_ =	shalt  }
0x58: {  	_ =	shalt  }
0x59: {  	_ =	shalt  }
0x5a: {  	_ =	shalt  }
0x5b: {  	_ =	shalt  }
0x5c: {  	_ =	shalt  }
0x5d: {  	_ =	shalt  }
0x5e: {  	_ =	shalt  }
0x5f: {  	_ =	shalt  }
0x60: {  	_ =	shalt  }
0x61: {  	_ =	shalt  }
0x62: {  	_ =	shalt  }
0x63: {  	_ =	shalt  }
0x64: {  	_ =	shalt  }
0x65: {  	_ =	shalt  }
0x66: {  	_ =	shalt  }
0x67: {  	_ =	shalt  }
0x68: {  	_ =	shalt  }
0x69: {  	_ =	shalt  }
0x6a: {  	_ =	shalt  }
0x6b: {  	_ =	shalt  }
0x6c: {  	_ =	shalt  }
0x6d: {  	_ =	shalt  }
0x6e: {  	_ =	shalt  }
0x6f: {  	_ =	shalt  }
0x70: {  	_ =	shalt  }
0x71: {  	_ =	shalt  }
0x72: {  	_ =	shalt  }
0x73: {  	_ =	shalt  }
0x74: {  	_ =	shalt  }
0x75: {  	_ =	shalt  }
0x76: {  	_ =	shalt  }
0x77: {  	_ =	shalt  }
0x78: {  	_ =	shalt  }
0x79: {  	_ =	shalt  }
0x7a: {  	_ =	shalt  }
0x7b: {  	_ =	shalt  }
0x7c: {  	_ =	shalt  }
0x7d: {  	_ =	shalt  }
0x7e: {  	_ =	shalt  }
0x7f: {  	_ =	shalt  }
0x80: {  	_ =	shalt  }
0x81: {  	_ =	shalt  }
0x82: {  	_ =	shalt  }
0x83: {  	_ =	shalt  }
0x84: {  	_ =	shalt  }
0x85: {  	_ =	shalt  }
0x86: {  	_ =	shalt  }
0x87: {  	_ =	shalt  }
.Lfunc_end0:
.L_simem_size_0:
called_computation_lowered:
.L_overlay_start_0:
0x88: {  	s2 =	sld [smem:$0x3FD9]  }
0x89: {  	s3 =	sld [smem:$0x3FFE];
	_ =	sdelay $0x1  }
0x8a: {  	s1 =	srdreg.scid  }
0x8b: {  	s0 =	sand.u32 $0x1, s1  }
0x8c: {  	s18 =	sshll.u32 s0, $0xA;
	s2 =	sadd.s32 s3, s2  }
0x8d: {  	s2 =	sadd.s32 s2, s18  }
0x8e: {  	[smem:$0x3FC5] =	sst s2  }
0x8f: {  	_ = 	snop  }
0x90: {  	s2 =	sld [smem:$0x3FC9]  }
0x91: {  	s19 =	sld [smem:$0x3FC8]  }
0x92: {  	s4 =	sld [smem:$0x3FC7]  }
0x93: {  	s5 =	sld [smem:$0x3FD0];
	(tm) =	ssettm $0x1  }
0x94: {  	s6 =	sld [smem:$0x3FFB];
	_ =	sdelay $0x3  }
0x95: {  	_ =	strace s6  }
0x96: {  	s6 =	sld [smem:$0x3FFC];
	_ =	sdelay $0x3  }
0x97: {  	_ =	strace s6  }
0x98: {  	s6 =	sld [smem:$0x3FFD];
	_ =	sdelay $0x3  }
0x99: {  	_ =	strace s6  }
0x9a: {  	_ =	strace $0x8FFFFFFF  }
0x9b: {  	s20 =	sld [smem:$0x3FDB];
	_ =	sdelay $0x1  }
0x9c: {  	s7 =	simm.s32 $_scs_section_size  }
0x9d: {  	s8 =	simm.s32 $_size__tile_overlayer_lowered;
	s9 =	simm.s32 $_tile_overlayer_lowered  }
0x9e: {  	s23 =	simm.s32 $0x1BFF;
	s22 =	sshll.u32 s9, $0x1;
	s6 =	sadd.s32 s7, s20  }
0x9f: {  	s10 =	simm.s32 $0x0;
	s21 =	sshll.u32 s8, $0x1;
	s8 =	sadd.s32 s22, s6  }
0xa0: {  	[timem:s10], [sflag:s23] =	dma.local [hbm:s8], s21  }
0xa1: {  	_ =	swait.ge [sflag:s23], s21  }
0xa2: {  	s7 =	ssub.s32 $0x0, s21;
	[sflag:s23] =	ssyncset.done $0x0  }
0xa3: {  	[sflag:s23] =	ssyncadd.s32 s7;
	_ =	sdelay $0x1  }
0xa4: {  	s24 =	simm.s32 $0x1B8B  }
0xa5: {  	_ =	swait.ge [sflag:s24], $0x1  }
0xa6: {  	[sflag:s24] =	ssyncset.done $0x0  }
0xa7: {  	s25 =	simm.s32 $0x1B8E;
	[sflag:s24] =	ssyncadd.s32 $0xFFFFFFFF  }
0xa8: {  	s26 =	simm.s32 $execute0_lowered;
	[smem:$0x3FD2] =	sst s25  }
0xa9: {  	s7 =	sshll.u32 s26, $0x1;
	_ =	strace $0x80000046;
	[dreg:$0x1] =	wrdreg $0xFFFFFFFF  }
0xaa: {  	s28 =	simm.s32 $_size_execute0_lowered;
	s6 =	sadd.s32 s6, s7;
	[dreg:$0x0] =	wrdreg $0x0  }
0xab: {  	s7 =	sshll.u32 s28, $0x1;
	[dreg:$0x2] =	wrdreg s6  }
0xac: {  	[dreg:$0x3] =	wrdreg s7  }
0xad: {  	[dreg:$0x4] =	wrdreg $0xC0  }
0xae: {  	_ =	task [dreg:s10], $0x5FFFF  }
0xaf: {  	[dreg:$0x1] =	wrdreg $0xFFFFFFFF  }
0xb0: {  	[dreg:$0x0] =	wrdreg $0x60  }
0xb1: {  	[dreg:$0x2] =	wrdreg s2  }
0xb2: {  	[dreg:$0x3] =	wrdreg s19  }
0xb3: {  	[dreg:$0x4] =	wrdreg s4  }
0xb4: {  	[dreg:$0x5] =	wrdreg s5  }
0xb5: {  	[dreg:$0x6] =	wrdreg $0x9  }
0xb6: {  	_ =	task.clear_ibuf [dreg:s10], $0x7FFFF;
	_ =	strace $0x90000046  }
0xb7: {  	s29 =	simm.s32 $0x9;
	_ =	strace $0x80000048  }
0xb8: {  	_ =	swait.ge [sflag:s29], $0x1  }
0xb9: {  	[sflag:s29] =	ssyncadd.s32 $0xFFFFFFFF  }
0xba: {  	_ =	strace $0x90000048  }
0xbb: {  	_ =	sfence  }
0xbc: {  	s30 =	sld [smem:$0x0];
	_ =	sdelay $0x2  }
0xbd: {  	s31 =	sshll.u32 s1, $0xD;
	s1 =	sshrl.u32 s1, $0x2  }
0xbe: {  	s3 =	sand.u32 $0x4000, s31;
	s1 =	sadd.s32 s1, s30  }
0xbf: {  	s0 =	sor.u32 s3, s0;
	s1 =	sshll.u32 s1, $0x11  }
0xc0: {  	s0 =	sor.u32 s1, s0  }
0xc1: {  	s0 =	sadd.s32 $0x8F2B, s0  }
0xc2: {  	[sflag:s0] =	ssyncadd.remote.s32 $0x1  }
0xc3: {  	_ =	sfence.sel $0xFFFF  }
0xc4: {  	[dreg:$0x0] =	wrdreg $0xFFFFFFFF;
	(pc) =	sbr.abs _section_cstart, $3  }
0xc5: {  	[dreg:$0x1] =	wrdreg $0xFFFFFFFF  }
0xc6: {  	_ =	task.clear_ibuf [dreg:s10], $0x2FFFF;
	_ =	strace $0x9FFFFFFF  }
0xc7: {  	(tm) =	ssettm $0x7FFFFFFF  }
tec
execute0_lowered:
.L_overlay_start_1:
0x0: {  	(tag) =	ssettag $0x1  }
0x1: {  	s2 =	rddreg [dreg:$0x1]  }
0x2: {  	s0 =	srdreg.scid;
	s4 =	rddreg [dreg:$0x2]  }
0x3: {  	s1 =	stileid.u32;
	s5 =	rddreg [dreg:$0x3];
	s6 =	simm.s32 $0x0  }
0x4: {  	s30 =	simm.s32 $0x1;
	s0 =	sand.u32 $0x1, s0;
	s1 =	sshll.u32 s1, $0x1  }
0x5: {  	s31 =	simm.s32 $0x6;
	s10 =	simm.s32 $0x7;
	s1 =	sor.u32 s0, s1  }
0x6: {  	s13 =	simm.s32 $0x3;
	s0 =	ssub.s32 $0x2, s0;
	s7 =	smul.u32 $0x30D40, s1  }
0x7: {  	s14 =	simm.s32 $0x8;
	[smem:$0x7FF] =	sst s6;
	s17 =	sshrl.u32 s0, $0x1  }
0x8: {  	_ =	strace $0x80000047;
	s0 =	ssub.s32 s0, s17;
	s3 =	sshrl.u32 s7, $0x3  }
0x9: {  	s9 =	sadd.s32 $0xFA0, s7;
	s11 =	sadd.s32 $0x1F40, s7;
	s15 =	sadd.s32 $0x2EE0, s7  }
0xa: {  	s16 =	sadd.s32 $0x3E80, s7;
	s0 =	smax.u32 s0, $0x1;
	s28 =	sadd.s32 $0x8CA0, s7  }
0xb: {  	s18 =	sadd.s32 s2, s3;
	s19 =	sadd.s32 s4, s3;
	[dreg:$0xf] =	wrdreg s0  }
0xc: {  	s20 =	sshrl.u32 s9, $0x3;
	s22 =	sshrl.u32 s11, $0x3;
	[dreg:$0x5] =	wrdreg s18  }
0xd: {  	s24 =	sshrl.u32 s15, $0x3;
	[dreg:$0x6] =	wrdreg s19;
	s21 =	sadd.s32 s2, s20  }
0xe: {  	s25 =	sshrl.u32 s16, $0x3;
	s1 =	sadd.s32 s4, s20;
	[dreg:$0x7] =	wrdreg s21  }
0xf: {  	s3 =	simm.s32 $0x0;
	s23 =	sadd.s32 s2, s22;
	[dreg:$0x8] =	wrdreg s1  }
0x10: {  	s8 =	sadd.s32 s2, s24;
	s26 =	sadd.s32 s2, s25;
	[dreg:$0x9] =	wrdreg s23  }
0x11: {  	s29 =	sadd.s32 s4, s25;
	s18 =	simm.s32 $0x4;
	[dreg:$0xb] =	wrdreg s8  }
.Ltmp0:
0x12: {  	s19 =	simm.s32 $0x9;
	[dreg:$0xd] =	wrdreg s26;
	(pc) =	sbr.rel .LBB2_1-.Ltmp0, $4  }
0x13: {  	s25 =	simm.s32 $0xA;
	s1 =	sadd.s32 s4, s22;
	[dreg:$0xe] =	wrdreg s29  }
0x14: {  	s22 =	sadd.s32 $0x4E20, s7;
	s23 =	sadd.s32 $0x5DC0, s7;
	s26 =	sadd.s32 $0x7D00, s7  }
0x15: {  	s8 =	simm.s32 $0x2;
	[dreg:$0xa] =	wrdreg s1;
	s1 =	sadd.s32 s4, s24  }
0x16: {  	s21 =	simm.s32 $0x5;
	s24 =	sadd.s32 $0x6D60, s7;
	[dreg:$0xc] =	wrdreg s1  }
.LBB2_14:
0x17: {  	s0 =	simm.s32 $0xB  }
0x18: {  	_ =	swait.ge [sflag:s0], $0xFA0  }
0x19: {  	[sflag:s0] =	ssyncset.done $0x0  }
0x1a: {  	s12 =	simm.s32 $0xC;
	[sflag:s0] =	ssyncadd.s32 $0xFFFFF060  }
0x1b: {  	_ =	swait.ge [sflag:s12], $0xFA0  }
0x1c: {  	[sflag:s12] =	ssyncset.done $0x0  }
0x1d: {  	s17 =	simm.s32 $0xD;
	[sflag:s12] =	ssyncadd.s32 $0xFFFFF060  }
0x1e: {  	_ =	swait.ge [sflag:s17], $0xFA0  }
0x1f: {  	[sflag:s17] =	ssyncset.done $0x0  }
0x20: {  	s20 =	simm.s32 $0xE;
	[sflag:s17] =	ssyncadd.s32 $0xFFFFF060  }
0x21: {  	_ =	swait.ge [sflag:s20], $0xFA0  }
0x22: {  	[sflag:s20] =	ssyncset.done $0x0  }
0x23: {  	s1 =	simm.s32 $0xF;
	[sflag:s20] =	ssyncadd.s32 $0xFFFFF060  }
0x24: {  	_ =	swait.ge [sflag:s1], $0xFA0  }
0x25: {  	s3 =	rddreg [dreg:$0x10]  }
0x26: {  	s29 =	rddreg [dreg:$0xf];
	s3 =	sadd.s32 $0x1, s3  }
0x27: {  	p0 =	sne.s32 s3, s29  }
.Ltmp1:
0x28: {  	_ = 	snop;
	(pc) =	sbr.rel @!p0 .LBB2_15-.Ltmp1, $3  }
0x29: {  	_ =	sdelay $0x1  }
0x2a: {  	[sflag:s1] =	ssyncset.done $0x0  }
0x2b: {  	[sflag:s1] =	ssyncadd.s32 $0xFFFFF060  }
.LBB2_1:
0x2c: {  	[dreg:$0x10] =	wrdreg s3  }
0x2d: {  	s0 =	rddreg [dreg:$0x0];
	s20 =	simm.s32 $0x10  }
0x2e: {  	[tilespmem:s6], [sflag:$0x10] =	stream.linear.gather [hbm4b:s0+s6], $0x4000, $0x38;
	[tilespmem:$0x13000] =	vst v63  }
0x2f: {  	_ =	swait.ge [sflag:s20], $0x4000  }
0x30: {  	[sflag:s20] =	ssyncset.done $0x0  }
0x31: {  	s1 =	simm.s32 $0x4000;
	s29 =	rddreg [dreg:$0x5];
	[sflag:s20] =	ssyncadd.s32 $0xFFFFC000  }
0x32: {  	[tilespmem:s1], [sflag:$0x1] =	stream.linear.gather [hbm4b:s29+s6], $0xFA0, $0x38;
	[tilespmem:$0x13000] =	vst v63  }
0x33: {  	s3 =	simm.s32 $0x9000;
	s1 =	rddreg [dreg:$0x6]  }
0x34: {  	[tilespmem:s3], [sflag:$0x6] =	stream.linear.gather [hbm4b:s1+s6], $0xFA0, $0x38;
	[tilespmem:$0x13000] =	vst v63  }
0x35: {  	s17 =	simm.s32 $0x5000;
	s12 =	rddreg [dreg:$0x7]  }
0x36: {  	[tilespmem:s17], [sflag:$0x2] =	stream.linear.gather [hbm4b:s12+s6], $0xFA0, $0x38;
	[tilespmem:$0x13000] =	vst v63  }
0x37: {  	s20 =	rddreg [dreg:$0x8];
	s29 =	simm.s32 $0xA000  }
0x38: {  	[tilespmem:s29], [sflag:$0x7] =	stream.linear.gather [hbm4b:s20+s6], $0xFA0, $0x38;
	[tilespmem:$0x13000] =	vst v63  }
0x39: {  	s1 =	rddreg [dreg:$0x9];
	s3 =	simm.s32 $0x6000  }
0x3a: {  	[tilespmem:s3], [sflag:$0x3] =	stream.linear.gather [hbm4b:s1+s6], $0xFA0, $0x38;
	[tilespmem:$0x13000] =	vst v63  }
0x3b: {  	s12 =	rddreg [dreg:$0xa];
	s17 =	simm.s32 $0xB000  }
0x3c: {  	[tilespmem:s17], [sflag:$0x8] =	stream.linear.gather [hbm4b:s12+s6], $0xFA0, $0x38;
	[tilespmem:$0x13000] =	vst v63  }
0x3d: {  	s20 =	rddreg [dreg:$0xb];
	s29 =	simm.s32 $0x7000  }
0x3e: {  	[tilespmem:s29], [sflag:$0x4] =	stream.linear.gather [hbm4b:s20+s6], $0xFA0, $0x38;
	[tilespmem:$0x13000] =	vst v63  }
0x3f: {  	s1 =	rddreg [dreg:$0xc];
	s3 =	simm.s32 $0xC000  }
0x40: {  	[tilespmem:s3], [sflag:$0x9] =	stream.linear.gather [hbm4b:s1+s6], $0xFA0, $0x38;
	[tilespmem:$0x13000] =	vst v63  }
0x41: {  	s12 =	rddreg [dreg:$0xd];
	s17 =	simm.s32 $0x8000  }
0x42: {  	[tilespmem:s17], [sflag:$0x5] =	stream.linear.gather [hbm4b:s12+s6], $0xFA0, $0x38;
	[tilespmem:$0x13000] =	vst v63  }
0x43: {  	s0 =	simm.s32 $0x0;
	s20 =	rddreg [dreg:$0xe];
	s29 =	simm.s32 $0xD000  }
0x44: {  	[tilespmem:s29], [sflag:$0xA] =	stream.linear.gather [hbm4b:s20+s6], $0xFA0, $0x38;
	[tilespmem:$0x13000] =	vst v63  }
.LBB2_2:
0x45: {  	_ =	swait.ge [sflag:s30], $0xFA0  }
0x46: {  	[sflag:s30] =	ssyncset.done $0x0  }
0x47: {  	[sflag:s30] =	ssyncadd.s32 $0xFFFFF060  }
0x48: {  	_ =	swait.ge [sflag:s31], $0xFA0  }
0x49: {  	p0 =	seq.s32 s0, $0x0;
	[sflag:s31] =	ssyncset.done $0x0  }
0x4a: {  	s1 =	simm.s32 @!p0 $0xB;
	[sflag:s31] =	ssyncadd.s32 $0xFFFFF060  }
0x4b: {  	_ =	swait.ge @!p0 [sflag:s1], $0xFA0  }
0x4c: {  	[sflag:s1] =	ssyncset.done @!p0 $0x0  }
0x4d: {  	s20 =	simm.s32 $0x4020;
	[sflag:s1] =	ssyncadd.s32 @!p0 $0xFFFFF060  }
0x4e: {  	s3 =	simm.s32 $0x9020;
	v0 =	vld [tilespmem:s20+$0x20]  }
0x4f: {  	v1 =	vld [tilespmem:s3+$0x20];
	_ =	sdelay $0x3  }
0x50: {  	v2 =	vld [tilespmem:s3+$0xFFFFFFE0]  }
0x51: {  	v3 =	vld [tilespmem:s20+$0xFFFFFFF0];
	vm0 =	vlt.s32 v0, v1  }
0x52: {  	v5 =	vld [tilespmem:s3+$0xFFFFFFF0];
	v4 =	vsel vm0, v0, v1  }
0x53: {  	v6 =	vld [tilespmem:s20+$0x10];
	v0 =	vsel vm0, v1, v0;
	v1 =	vshll.u32 v4, $0x7  }
0x54: {  	v7 =	vld [tilespmem:s20+$0xFFFFFFE0];
	v0 =	vadd.s32 v0, v1  }
0x55: {  	v8 =	vld [tilespmem:s3+$0x10]  }
0x56: {  	v4 =	vld [tilespmem:s20+$0x0]  }
0x57: {  	s29 =	simm.s32 $0x4070;
	v1 =	vld [tilespmem:s3+$0x0]  }
0x58: {  	v10 =	vld [tilespmem:s29+$0x20]  }
0x59: {  	s1 =	simm.s32 $0x9070;
	vm0 =	vlt.s32 v3, v5;
	v9 =	vld.idx.msk [tilespmem:v0+s6+$0x0], $0xffff  }
0x5a: {  	vm1 =	vgt.s32 v7, v2;
	v0 =	vsel vm0, v3, v5;
	v3 =	vsel vm0, v5, v3;
	v5 =	vld [tilespmem:s1+$0x20]  }
0x5b: {  	v13 =	vld [tilespmem:s29+$0xFFFFFFF0];
	v12 =	vsel vm1, v2, v7;
	v11 =	vshll.u32 v0, $0x7  }
0x5c: {  	v14 =	vld [tilespmem:s29+$0x10];
	v2 =	vsel vm1, v7, v2;
	vm0 =	vlt.s32 v4, v1;
	v3 =	vadd.s32 v3, v11  }
0x5d: {  	v7 =	vld [tilespmem:s1+$0xFFFFFFF0];
	v11 =	vsel vm0, v4, v1;
	v1 =	vsel vm0, v1, v4;
	v4 =	vshll.u32 v12, $0x7  }
0x5e: {  	v15 =	vld [tilespmem:s1+$0x10];
	vm0 =	vlt.s32 v6, v8;
	v11 =	vshll.u32 v11, $0x7;
	v2 =	vadd.s32 v2, v4  }
0x5f: {  	v4 =	vld [tilespmem:s29+$0x0];
	v63 =	vsel vm0, v6, v8;
	v6 =	vsel vm0, v8, v6;
	vm0 =	vlt.s32 v10, v5  }
0x60: {  	v8 =	vld [tilespmem:s1+$0x0];
	v12 =	vshll.u32 v63, $0x7;
	v11 =	vadd.s32 v1, v11;
	v1 =	vsel vm0, v10, v5  }
0x61: {  	v0 =	vld [tilespmem:s1+$0xFFFFFFE0];
	v12 =	vadd.s32 v6, v12;
	v5 =	vsel vm0, v5, v10;
	v1 =	vshll.u32 v1, $0x7  }
0x62: {  	v6 =	vld [tilespmem:s29+$0xFFFFFFE0];
	vm0 =	vlt.s32 v13, v7;
	v16 =	vadd.s32 v5, v1  }
0x63: {  	v3 =	vld.idx.msk [tilespmem:v3+s6+$0x0], $0xffff;
	v1 =	vsel vm0, v13, v7  }
0x64: {  	vm1 =	vlt.s32 v14, v15;
	v2 =	vld.idx.msk [tilespmem:v2+s6+$0x0], $0xffff;
	v5 =	vsel vm0, v7, v13;
	v1 =	vshll.u32 v1, $0x7  }
0x65: {  	v10 =	vsel vm1, v15, v14;
	vm0 =	vlt.s32 v4, v8;
	v1 =	vadd.s32 v5, v1;
	v5 =	vld.idx.msk [tilespmem:v11+s6+$0x0], $0xffff  }
0x66: {  	s3 =	simm.s32 $0xE020;
	v7 =	vmax.f32 v9, $0.0e+00;
	v9 =	vsel vm0, v4, v8;
	v8 =	vsel vm0, v8, v4;
	v4 =	vld.idx.msk [tilespmem:v12+s6+$0x0], $0xffff  }
0x67: {  	s17 =	simm.s32 $0x5;
	s12 =	simm.s32 $0xE020;
	s20 =	simm.s32 $0x40C0;
	[tilespmem:s3+$0x20] =	vst v7;
	v9 =	vshll.u32 v9, $0x7;
	vm0 =	vgt.s32 v6, v0;
	v11 =	vsel vm1, v14, v15;
	v7 =	vld.idx.msk [tilespmem:v16+s6+$0x0], $0xffff  }
.LBB2_3:
0x68: {  	v12 =	vld [tilespmem:s20+$0x20];
	v13 =	vsel vm0, v0, v6;
	v6 =	vsel vm0, v6, v0;
	v0 =	vshll.u32 v11, $0x7;
	s1 =	sadd.s32 $0x50, s1  }
0x69: {  	s17 =	sadd.s32 $0x5, s17;
	v9 =	vadd.s32 v8, v9;
	v11 =	vld [tilespmem:s1+$0x20];
	v13 =	vshll.u32 v13, $0x7;
	v10 =	vadd.s32 v10, v0  }
0x6a: {  	v2 =	vmax.f32 v2, $0.0e+00;
	p1 =	slt.u32 s17, $0xF5;
	v3 =	vmax.f32 v3, $0.0e+00;
	v0 =	vld [tilespmem:s1+$0xFFFFFFE0];
	v8 =	vadd.s32 v6, v13  }
0x6b: {  	v13 =	vld [tilespmem:s20+$0xFFFFFFF0];
	[tilespmem:s3+$0xFFFFFFE0] =	vst v2;
	v2 =	vmax.f32 v5, $0.0e+00  }
0x6c: {  	v5 =	vld [tilespmem:s1+$0xFFFFFFF0];
	[tilespmem:s3+$0xFFFFFFF0] =	vst v3;
	v3 =	vmax.f32 v4, $0.0e+00  }
0x6d: {  	v6 =	vmax.f32 v7, $0.0e+00;
	s3 =	sadd.s32 $0x50, s3;
	v4 =	vld [tilespmem:s20+$0x0];
	[tilespmem:s12+$0x0] =	vst v2  }
0x6e: {  	v7 =	vld [tilespmem:s1+$0x0];
	vm0 =	vlt.s32 v12, v11;
	[tilespmem:s3+$0x20] =	vst v6  }
0x6f: {  	v14 =	vld [tilespmem:s20+$0x10];
	v2 =	vsel vm0, v12, v11;
	[tilespmem:s12+$0x10] =	vst v3;
	s12 =	smov.u32 s3  }
0x70: {  	v3 =	vsel vm0, v11, v12;
	v15 =	vld [tilespmem:s1+$0x10];
	v2 =	vshll.u32 v2, $0x7  }
0x71: {  	v6 =	vld [tilespmem:s20+$0xFFFFFFE0];
	vm0 =	vlt.s32 v13, v5;
	v12 =	vadd.s32 v3, v2  }
.Ltmp2:
0x72: {  	v3 =	vsel vm0, v13, v5;
	v5 =	vsel vm0, v5, v13;
	v2 =	vld.idx.msk [tilespmem:v8+s6+$0x0], $0xffff;
	(pc) =	sbr.rel @p1 .LBB2_3-.Ltmp2, $4  }
0x73: {  	v8 =	vshll.u32 v3, $0x7;
	vm0 =	vlt.s32 v4, v7;
	v3 =	vld.idx.msk [tilespmem:v1+s6+$0x0], $0xffff  }
0x74: {  	v1 =	vadd.s32 v5, v8;
	v11 =	vsel vm0, v4, v7;
	v8 =	vsel vm0, v7, v4;
	v5 =	vld.idx.msk [tilespmem:v9+s6+$0x0], $0xffff  }
0x75: {  	v9 =	vshll.u32 v11, $0x7;
	vm1 =	vlt.s32 v14, v15;
	v4 =	vld.idx.msk [tilespmem:v10+s6+$0x0], $0xffff  }
0x76: {  	s20 =	sadd.s32 $0x50, s20;
	vm0 =	vgt.s32 v6, v0;
	v11 =	vsel vm1, v14, v15;
	v10 =	vsel vm1, v15, v14;
	v7 =	vld.idx.msk [tilespmem:v12+s6+$0x0], $0xffff  }
0x77: {  	v12 =	vsel vm0, v0, v6  }
0x78: {  	v0 =	vsel vm0, v6, v0;
	v6 =	vshll.u32 v12, $0x7  }
0x79: {  	v0 =	vadd.s32 v0, v6  }
0x7a: {  	v8 =	vadd.s32 v8, v9;
	v6 =	vshll.u32 v11, $0x7  }
0x7b: {  	v6 =	vadd.s32 v10, v6;
	_ =	sdelay $0x1  }
0x7c: {  	v2 =	vmax.f32 v2, $0.0e+00;
	v1 =	vld.idx.msk [tilespmem:v1+s6+$0x0], $0xffff  }
0x7d: {  	v3 =	vmax.f32 v3, $0.0e+00;
	[tilespmem:s3+$0xFFFFFFE0] =	vst v2;
	v0 =	vld.idx.msk [tilespmem:v0+s6+$0x0], $0xffff  }
0x7e: {  	v2 =	vmax.f32 v5, $0.0e+00;
	[tilespmem:s3+$0xFFFFFFF0] =	vst v3;
	v3 =	vld.idx.msk [tilespmem:v8+s6+$0x0], $0xffff  }
0x7f: {  	[tilespmem:s12+$0x0] =	vst v2;
	v4 =	vmax.f32 v4, $0.0e+00;
	v2 =	vld.idx.msk [tilespmem:v6+s6+$0x0], $0xffff  }
0x80: {  	s17 =	sadd.s32 $0x50, s3;
	v5 =	vmax.f32 v7, $0.0e+00;
	[tilespmem:s12+$0x10] =	vst v4  }
0x81: {  	s1 =	smul.u32 $0x4E20, s0;
	[tilespmem:s17+$0x20] =	vst v5;
	v1 =	vmax.f32 v1, $0.0e+00  }
0x82: {  	[tilespmem:s17+$0xFFFFFFF0] =	vst v1;
	v0 =	vmax.f32 v0, $0.0e+00  }
0x83: {  	p1 =	seq.s32 s0, $0x9;
	s20 =	sadd.s32 s7, s1;
	[tilespmem:s17+$0xFFFFFFE0] =	vst v0;
	v0 =	vmax.f32 v3, $0.0e+00  }
0x84: {  	s3 =	sadd.s32 @!p1 s1, s22;
	s12 =	sshrl.u32 s20, $0x3;
	v1 =	vmax.f32 v2, $0.0e+00;
	[tilespmem:s17+$0x0] =	vst v0  }
0x85: {  	s3 =	sshrl.u32 @!p1 s3, $0x3;
	s20 =	simm.s32 $0xE000;
	[tilespmem:s17+$0x10] =	vst v1;
	s17 =	sadd.s32 s5, s12  }
0x86: {  	[hbm4b:s17+s6] =	stream.linear.scatter [tilespmem:s20], [sflag:$0xB], $0xFA0, $0x38;
	[tilespmem:$0x13000] =	vst v63  }
0x87: {  	s12 =	sadd.s32 @!p1 s2, s3;
	s17 =	simm.s32 @!p1 $0x0;
	s20 =	simm.s32 @!p1 $0x4000  }
0x88: {  	[tilespmem:s20], [sflag:$0x1] =	stream.linear.gather @!p1 [hbm4b:s12+s17], $0xFA0, $0x38;
	[tilespmem:$0x13000] =	vst v63  }
0x89: {  	s3 =	sadd.s32 @!p1 s4, s3;
	s12 =	simm.s32 @!p1 $0x9000  }
0x8a: {  	[tilespmem:s12], [sflag:$0x6] =	stream.linear.gather @!p1 [hbm4b:s3+s17], $0xFA0, $0x38;
	[tilespmem:$0x13000] =	vst v63  }
0x8b: {  	_ =	swait.ge [sflag:s8], $0xFA0  }
0x8c: {  	[sflag:s8] =	ssyncset.done $0x0  }
0x8d: {  	[sflag:s8] =	ssyncadd.s32 $0xFFFFF060  }
0x8e: {  	_ =	swait.ge [sflag:s10], $0xFA0  }
0x8f: {  	[sflag:s10] =	ssyncset.done $0x0  }
0x90: {  	s3 =	simm.s32 @!p0 $0xC;
	[sflag:s10] =	ssyncadd.s32 $0xFFFFF060  }
0x91: {  	_ =	swait.ge @!p0 [sflag:s3], $0xFA0  }
0x92: {  	[sflag:s3] =	ssyncset.done @!p0 $0x0  }
0x93: {  	s12 =	simm.s32 $0x5020;
	[sflag:s3] =	ssyncadd.s32 @!p0 $0xFFFFF060  }
0x94: {  	s17 =	simm.s32 $0xA020;
	v0 =	vld [tilespmem:s12+$0x20]  }
0x95: {  	v1 =	vld [tilespmem:s17+$0x20];
	_ =	sdelay $0x3  }
0x96: {  	v2 =	vld [tilespmem:s17+$0xFFFFFFE0]  }
0x97: {  	v3 =	vld [tilespmem:s12+$0xFFFFFFF0];
	vm0 =	vlt.s32 v0, v1  }
0x98: {  	v5 =	vld [tilespmem:s17+$0xFFFFFFF0];
	v4 =	vsel vm0, v0, v1  }
0x99: {  	v6 =	vld [tilespmem:s12+$0x10];
	v0 =	vsel vm0, v1, v0;
	v1 =	vshll.u32 v4, $0x7  }
0x9a: {  	v7 =	vld [tilespmem:s12+$0xFFFFFFE0];
	v0 =	vadd.s32 v0, v1  }
0x9b: {  	v8 =	vld [tilespmem:s17+$0x10]  }
0x9c: {  	v4 =	vld [tilespmem:s12+$0x0]  }
0x9d: {  	s20 =	simm.s32 $0x5070;
	v1 =	vld [tilespmem:s17+$0x0]  }
0x9e: {  	v10 =	vld [tilespmem:s20+$0x20]  }
0x9f: {  	s3 =	simm.s32 $0xA070;
	vm0 =	vlt.s32 v3, v5;
	v9 =	vld.idx.msk [tilespmem:v0+s6+$0x0], $0xffff  }
0xa0: {  	vm1 =	vgt.s32 v7, v2;
	v0 =	vsel vm0, v3, v5;
	v3 =	vsel vm0, v5, v3;
	v5 =	vld [tilespmem:s3+$0x20]  }
0xa1: {  	v13 =	vld [tilespmem:s20+$0xFFFFFFF0];
	v62 =	vsel vm1, v2, v7;
	v11 =	vshll.u32 v0, $0x7  }
0xa2: {  	v14 =	vld [tilespmem:s20+$0x10];
	v2 =	vsel vm1, v7, v2;
	vm0 =	vlt.s32 v4, v1;
	v3 =	vadd.s32 v3, v11  }
0xa3: {  	v7 =	vld [tilespmem:s3+$0xFFFFFFF0];
	v11 =	vsel vm0, v4, v1;
	v1 =	vsel vm0, v1, v4;
	v4 =	vshll.u32 v62, $0x7  }
0xa4: {  	v15 =	vld [tilespmem:s3+$0x10];
	vm0 =	vlt.s32 v6, v8;
	v11 =	vshll.u32 v11, $0x7;
	v2 =	vadd.s32 v2, v4  }
0xa5: {  	v4 =	vld [tilespmem:s20+$0x0];
	v63 =	vsel vm0, v6, v8;
	v6 =	vsel vm0, v8, v6;
	vm0 =	vlt.s32 v10, v5  }
0xa6: {  	v8 =	vld [tilespmem:s3+$0x0];
	v12 =	vshll.u32 v63, $0x7;
	v11 =	vadd.s32 v1, v11;
	v1 =	vsel vm0, v10, v5  }
0xa7: {  	v0 =	vld [tilespmem:s3+$0xFFFFFFE0];
	v12 =	vadd.s32 v6, v12;
	v5 =	vsel vm0, v5, v10;
	v1 =	vshll.u32 v1, $0x7  }
0xa8: {  	v6 =	vld [tilespmem:s20+$0xFFFFFFE0];
	vm0 =	vlt.s32 v13, v7;
	v16 =	vadd.s32 v5, v1  }
0xa9: {  	v3 =	vld.idx.msk [tilespmem:v3+s6+$0x0], $0xffff;
	v1 =	vsel vm0, v13, v7  }
0xaa: {  	vm1 =	vlt.s32 v14, v15;
	v2 =	vld.idx.msk [tilespmem:v2+s6+$0x0], $0xffff;
	v5 =	vsel vm0, v7, v13;
	v1 =	vshll.u32 v1, $0x7  }
0xab: {  	v10 =	vsel vm1, v15, v14;
	vm0 =	vlt.s32 v4, v8;
	v1 =	vadd.s32 v5, v1;
	v5 =	vld.idx.msk [tilespmem:v11+s6+$0x0], $0xffff  }
0xac: {  	s12 =	simm.s32 $0xF020;
	v7 =	vmax.f32 v9, $0.0e+00;
	v9 =	vsel vm0, v4, v8;
	v8 =	vsel vm0, v8, v4;
	v4 =	vld.idx.msk [tilespmem:v12+s6+$0x0], $0xffff  }
0xad: {  	s29 =	simm.s32 $0x50C0;
	s17 =	simm.s32 $0xF020;
	s20 =	simm.s32 $0x5;
	[tilespmem:s12+$0x20] =	vst v7;
	v9 =	vshll.u32 v9, $0x7;
	vm0 =	vgt.s32 v6, v0;
	v11 =	vsel vm1, v14, v15;
	v7 =	vld.idx.msk [tilespmem:v16+s6+$0x0], $0xffff  }
.LBB2_5:
0xae: {  	v12 =	vld [tilespmem:s29+$0x20];
	v13 =	vsel vm0, v0, v6;
	v6 =	vsel vm0, v6, v0;
	v0 =	vshll.u32 v11, $0x7;
	s3 =	sadd.s32 $0x50, s3  }
0xaf: {  	s20 =	sadd.s32 $0x5, s20;
	v9 =	vadd.s32 v8, v9;
	v11 =	vld [tilespmem:s3+$0x20];
	v13 =	vshll.u32 v13, $0x7;
	v10 =	vadd.s32 v10, v0  }
0xb0: {  	v2 =	vmax.f32 v2, $0.0e+00;
	p2 =	slt.u32 s20, $0xF5;
	v3 =	vmax.f32 v3, $0.0e+00;
	v0 =	vld [tilespmem:s3+$0xFFFFFFE0];
	v8 =	vadd.s32 v6, v13  }
0xb1: {  	v13 =	vld [tilespmem:s29+$0xFFFFFFF0];
	[tilespmem:s12+$0xFFFFFFE0] =	vst v2;
	v2 =	vmax.f32 v5, $0.0e+00  }
0xb2: {  	v5 =	vld [tilespmem:s3+$0xFFFFFFF0];
	[tilespmem:s12+$0xFFFFFFF0] =	vst v3;
	v3 =	vmax.f32 v4, $0.0e+00  }
0xb3: {  	v6 =	vmax.f32 v7, $0.0e+00;
	s12 =	sadd.s32 $0x50, s12;
	v4 =	vld [tilespmem:s29+$0x0];
	[tilespmem:s17+$0x0] =	vst v2  }
0xb4: {  	v7 =	vld [tilespmem:s3+$0x0];
	vm0 =	vlt.s32 v12, v11;
	[tilespmem:s12+$0x20] =	vst v6  }
0xb5: {  	v14 =	vld [tilespmem:s29+$0x10];
	v2 =	vsel vm0, v12, v11;
	[tilespmem:s17+$0x10] =	vst v3;
	s17 =	smov.u32 s12  }
0xb6: {  	v3 =	vsel vm0, v11, v12;
	v15 =	vld [tilespmem:s3+$0x10];
	v2 =	vshll.u32 v2, $0x7  }
0xb7: {  	v6 =	vld [tilespmem:s29+$0xFFFFFFE0];
	vm0 =	vlt.s32 v13, v5;
	v12 =	vadd.s32 v3, v2  }
.Ltmp3:
0xb8: {  	v3 =	vsel vm0, v13, v5;
	v5 =	vsel vm0, v5, v13;
	v2 =	vld.idx.msk [tilespmem:v8+s6+$0x0], $0xffff;
	(pc) =	sbr.rel @p2 .LBB2_5-.Ltmp3, $4  }
0xb9: {  	v8 =	vshll.u32 v3, $0x7;
	vm0 =	vlt.s32 v4, v7;
	v3 =	vld.idx.msk [tilespmem:v1+s6+$0x0], $0xffff  }
0xba: {  	v1 =	vadd.s32 v5, v8;
	v11 =	vsel vm0, v4, v7;
	v8 =	vsel vm0, v7, v4;
	v5 =	vld.idx.msk [tilespmem:v9+s6+$0x0], $0xffff  }
0xbb: {  	v9 =	vshll.u32 v11, $0x7;
	vm1 =	vlt.s32 v14, v15;
	v4 =	vld.idx.msk [tilespmem:v10+s6+$0x0], $0xffff  }
0xbc: {  	s29 =	sadd.s32 $0x50, s29;
	vm0 =	vgt.s32 v6, v0;
	v11 =	vsel vm1, v14, v15;
	v10 =	vsel vm1, v15, v14;
	v7 =	vld.idx.msk [tilespmem:v12+s6+$0x0], $0xffff  }
0xbd: {  	v12 =	vsel vm0, v0, v6  }
0xbe: {  	v0 =	vsel vm0, v6, v0;
	v6 =	vshll.u32 v12, $0x7  }
0xbf: {  	v0 =	vadd.s32 v0, v6  }
0xc0: {  	v8 =	vadd.s32 v8, v9;
	v6 =	vshll.u32 v11, $0x7  }
0xc1: {  	v6 =	vadd.s32 v10, v6;
	_ =	sdelay $0x1  }
0xc2: {  	v2 =	vmax.f32 v2, $0.0e+00;
	v1 =	vld.idx.msk [tilespmem:v1+s6+$0x0], $0xffff  }
0xc3: {  	v3 =	vmax.f32 v3, $0.0e+00;
	[tilespmem:s12+$0xFFFFFFE0] =	vst v2;
	v0 =	vld.idx.msk [tilespmem:v0+s6+$0x0], $0xffff  }
0xc4: {  	v2 =	vmax.f32 v5, $0.0e+00;
	[tilespmem:s12+$0xFFFFFFF0] =	vst v3;
	v3 =	vld.idx.msk [tilespmem:v8+s6+$0x0], $0xffff  }
0xc5: {  	[tilespmem:s17+$0x0] =	vst v2;
	v4 =	vmax.f32 v4, $0.0e+00;
	v2 =	vld.idx.msk [tilespmem:v6+s6+$0x0], $0xffff  }
0xc6: {  	s3 =	sadd.s32 $0x50, s12;
	v5 =	vmax.f32 v7, $0.0e+00;
	[tilespmem:s17+$0x10] =	vst v4  }
0xc7: {  	[tilespmem:s3+$0x20] =	vst v5;
	v1 =	vmax.f32 v1, $0.0e+00  }
0xc8: {  	[tilespmem:s3+$0xFFFFFFF0] =	vst v1;
	v0 =	vmax.f32 v0, $0.0e+00  }
0xc9: {  	s20 =	sadd.s32 s1, s9;
	[tilespmem:s3+$0xFFFFFFE0] =	vst v0;
	v0 =	vmax.f32 v3, $0.0e+00  }
0xca: {  	s12 =	sshrl.u32 s20, $0x3;
	v1 =	vmax.f32 v2, $0.0e+00;
	[tilespmem:s3+$0x0] =	vst v0  }
0xcb: {  	s20 =	simm.s32 $0xF000;
	s17 =	sadd.s32 s5, s12;
	[tilespmem:s3+$0x10] =	vst v1;
	s3 =	sadd.s32 @!p1 s1, s23  }
0xcc: {  	[hbm4b:s17+s6] =	stream.linear.scatter [tilespmem:s20], [sflag:$0xC], $0xFA0, $0x38;
	[tilespmem:$0x13000] =	vst v63  }
0xcd: {  	s3 =	sshrl.u32 @!p1 s3, $0x3  }
0xce: {  	s17 =	simm.s32 @!p1 $0x0;
	s20 =	simm.s32 @!p1 $0x5000;
	s12 =	sadd.s32 @!p1 s2, s3  }
0xcf: {  	[tilespmem:s20], [sflag:$0x2] =	stream.linear.gather @!p1 [hbm4b:s12+s17], $0xFA0, $0x38;
	[tilespmem:$0x13000] =	vst v63  }
0xd0: {  	s3 =	sadd.s32 @!p1 s4, s3;
	s12 =	simm.s32 @!p1 $0xA000  }
0xd1: {  	[tilespmem:s12], [sflag:$0x7] =	stream.linear.gather @!p1 [hbm4b:s3+s17], $0xFA0, $0x38;
	[tilespmem:$0x13000] =	vst v63  }
0xd2: {  	_ =	swait.ge [sflag:s13], $0xFA0  }
0xd3: {  	[sflag:s13] =	ssyncset.done $0x0  }
0xd4: {  	[sflag:s13] =	ssyncadd.s32 $0xFFFFF060  }
0xd5: {  	_ =	swait.ge [sflag:s14], $0xFA0  }
0xd6: {  	[sflag:s14] =	ssyncset.done $0x0  }
0xd7: {  	s3 =	simm.s32 @!p0 $0xD;
	[sflag:s14] =	ssyncadd.s32 $0xFFFFF060  }
0xd8: {  	_ =	swait.ge @!p0 [sflag:s3], $0xFA0  }
0xd9: {  	[sflag:s3] =	ssyncset.done @!p0 $0x0  }
0xda: {  	s12 =	simm.s32 $0x6020;
	[sflag:s3] =	ssyncadd.s32 @!p0 $0xFFFFF060  }
0xdb: {  	s17 =	simm.s32 $0xB020;
	v0 =	vld [tilespmem:s12+$0x20]  }
0xdc: {  	v1 =	vld [tilespmem:s17+$0x20];
	_ =	sdelay $0x3  }
0xdd: {  	v2 =	vld [tilespmem:s17+$0xFFFFFFE0]  }
0xde: {  	v3 =	vld [tilespmem:s12+$0xFFFFFFF0];
	vm0 =	vlt.s32 v0, v1  }
0xdf: {  	v5 =	vld [tilespmem:s17+$0xFFFFFFF0];
	v4 =	vsel vm0, v0, v1  }
0xe0: {  	v6 =	vld [tilespmem:s12+$0x10];
	v0 =	vsel vm0, v1, v0;
	v1 =	vshll.u32 v4, $0x7  }
0xe1: {  	v7 =	vld [tilespmem:s12+$0xFFFFFFE0];
	v0 =	vadd.s32 v0, v1  }
0xe2: {  	v8 =	vld [tilespmem:s17+$0x10]  }
0xe3: {  	v4 =	vld [tilespmem:s12+$0x0]  }
0xe4: {  	s20 =	simm.s32 $0x6070;
	v1 =	vld [tilespmem:s17+$0x0]  }
0xe5: {  	v10 =	vld [tilespmem:s20+$0x20]  }
0xe6: {  	s3 =	simm.s32 $0xB070;
	vm0 =	vlt.s32 v3, v5;
	v9 =	vld.idx.msk [tilespmem:v0+s6+$0x0], $0xffff  }
0xe7: {  	vm1 =	vgt.s32 v7, v2;
	v0 =	vsel vm0, v3, v5;
	v3 =	vsel vm0, v5, v3;
	v5 =	vld [tilespmem:s3+$0x20]  }
0xe8: {  	v13 =	vld [tilespmem:s20+$0xFFFFFFF0];
	v62 =	vsel vm1, v2, v7;
	v11 =	vshll.u32 v0, $0x7  }
0xe9: {  	v14 =	vld [tilespmem:s20+$0x10];
	v2 =	vsel vm1, v7, v2;
	vm0 =	vlt.s32 v4, v1;
	v3 =	vadd.s32 v3, v11  }
0xea: {  	v7 =	vld [tilespmem:s3+$0xFFFFFFF0];
	v11 =	vsel vm0, v4, v1;
	v1 =	vsel vm0, v1, v4;
	v4 =	vshll.u32 v62, $0x7  }
0xeb: {  	v15 =	vld [tilespmem:s3+$0x10];
	vm0 =	vlt.s32 v6, v8;
	v11 =	vshll.u32 v11, $0x7;
	v2 =	vadd.s32 v2, v4  }
0xec: {  	v4 =	vld [tilespmem:s20+$0x0];
	v63 =	vsel vm0, v6, v8;
	v6 =	vsel vm0, v8, v6;
	vm0 =	vlt.s32 v10, v5  }
0xed: {  	v8 =	vld [tilespmem:s3+$0x0];
	v12 =	vshll.u32 v63, $0x7;
	v11 =	vadd.s32 v1, v11;
	v1 =	vsel vm0, v10, v5  }
0xee: {  	v0 =	vld [tilespmem:s3+$0xFFFFFFE0];
	v12 =	vadd.s32 v6, v12;
	v5 =	vsel vm0, v5, v10;
	v1 =	vshll.u32 v1, $0x7  }
0xef: {  	v6 =	vld [tilespmem:s20+$0xFFFFFFE0];
	vm0 =	vlt.s32 v13, v7;
	v16 =	vadd.s32 v5, v1  }
0xf0: {  	v3 =	vld.idx.msk [tilespmem:v3+s6+$0x0], $0xffff;
	v1 =	vsel vm0, v13, v7  }
0xf1: {  	vm1 =	vlt.s32 v14, v15;
	v2 =	vld.idx.msk [tilespmem:v2+s6+$0x0], $0xffff;
	v5 =	vsel vm0, v7, v13;
	v1 =	vshll.u32 v1, $0x7  }
0xf2: {  	v10 =	vsel vm1, v15, v14;
	vm0 =	vlt.s32 v4, v8;
	v1 =	vadd.s32 v5, v1;
	v5 =	vld.idx.msk [tilespmem:v11+s6+$0x0], $0xffff  }
0xf3: {  	s12 =	simm.s32 $0x10020;
	v7 =	vmax.f32 v9, $0.0e+00;
	v9 =	vsel vm0, v4, v8;
	v8 =	vsel vm0, v8, v4;
	v4 =	vld.idx.msk [tilespmem:v12+s6+$0x0], $0xffff  }
0xf4: {  	s29 =	simm.s32 $0x60C0;
	s17 =	simm.s32 $0x10020;
	s20 =	simm.s32 $0x5;
	[tilespmem:s12+$0x20] =	vst v7;
	v9 =	vshll.u32 v9, $0x7;
	vm0 =	vgt.s32 v6, v0;
	v11 =	vsel vm1, v14, v15;
	v7 =	vld.idx.msk [tilespmem:v16+s6+$0x0], $0xffff  }
.LBB2_7:
0xf5: {  	v12 =	vld [tilespmem:s29+$0x20];
	v13 =	vsel vm0, v0, v6;
	v6 =	vsel vm0, v6, v0;
	v0 =	vshll.u32 v11, $0x7;
	s3 =	sadd.s32 $0x50, s3  }
0xf6: {  	s20 =	sadd.s32 $0x5, s20;
	v9 =	vadd.s32 v8, v9;
	v11 =	vld [tilespmem:s3+$0x20];
	v13 =	vshll.u32 v13, $0x7;
	v10 =	vadd.s32 v10, v0  }
0xf7: {  	v2 =	vmax.f32 v2, $0.0e+00;
	p2 =	slt.u32 s20, $0xF5;
	v3 =	vmax.f32 v3, $0.0e+00;
	v0 =	vld [tilespmem:s3+$0xFFFFFFE0];
	v8 =	vadd.s32 v6, v13  }
0xf8: {  	v13 =	vld [tilespmem:s29+$0xFFFFFFF0];
	[tilespmem:s12+$0xFFFFFFE0] =	vst v2;
	v2 =	vmax.f32 v5, $0.0e+00  }
0xf9: {  	v5 =	vld [tilespmem:s3+$0xFFFFFFF0];
	[tilespmem:s12+$0xFFFFFFF0] =	vst v3;
	v3 =	vmax.f32 v4, $0.0e+00  }
0xfa: {  	v6 =	vmax.f32 v7, $0.0e+00;
	s12 =	sadd.s32 $0x50, s12;
	v4 =	vld [tilespmem:s29+$0x0];
	[tilespmem:s17+$0x0] =	vst v2  }
0xfb: {  	v7 =	vld [tilespmem:s3+$0x0];
	vm0 =	vlt.s32 v12, v11;
	[tilespmem:s12+$0x20] =	vst v6  }
0xfc: {  	v14 =	vld [tilespmem:s29+$0x10];
	v2 =	vsel vm0, v12, v11;
	[tilespmem:s17+$0x10] =	vst v3;
	s17 =	smov.u32 s12  }
0xfd: {  	v3 =	vsel vm0, v11, v12;
	v15 =	vld [tilespmem:s3+$0x10];
	v2 =	vshll.u32 v2, $0x7  }
0xfe: {  	v6 =	vld [tilespmem:s29+$0xFFFFFFE0];
	vm0 =	vlt.s32 v13, v5;
	v12 =	vadd.s32 v3, v2  }
.Ltmp4:
0xff: {  	v3 =	vsel vm0, v13, v5;
	v5 =	vsel vm0, v5, v13;
	v2 =	vld.idx.msk [tilespmem:v8+s6+$0x0], $0xffff;
	(pc) =	sbr.rel @p2 .LBB2_7-.Ltmp4, $4  }
0x100: {  	v8 =	vshll.u32 v3, $0x7;
	vm0 =	vlt.s32 v4, v7;
	v3 =	vld.idx.msk [tilespmem:v1+s6+$0x0], $0xffff  }
0x101: {  	v1 =	vadd.s32 v5, v8;
	v11 =	vsel vm0, v4, v7;
	v8 =	vsel vm0, v7, v4;
	v5 =	vld.idx.msk [tilespmem:v9+s6+$0x0], $0xffff  }
0x102: {  	v9 =	vshll.u32 v11, $0x7;
	vm1 =	vlt.s32 v14, v15;
	v4 =	vld.idx.msk [tilespmem:v10+s6+$0x0], $0xffff  }
0x103: {  	s29 =	sadd.s32 $0x50, s29;
	vm0 =	vgt.s32 v6, v0;
	v11 =	vsel vm1, v14, v15;
	v10 =	vsel vm1, v15, v14;
	v7 =	vld.idx.msk [tilespmem:v12+s6+$0x0], $0xffff  }
0x104: {  	v12 =	vsel vm0, v0, v6  }
0x105: {  	v0 =	vsel vm0, v6, v0;
	v6 =	vshll.u32 v12, $0x7  }
0x106: {  	v0 =	vadd.s32 v0, v6  }
0x107: {  	v8 =	vadd.s32 v8, v9;
	v6 =	vshll.u32 v11, $0x7  }
0x108: {  	v6 =	vadd.s32 v10, v6;
	_ =	sdelay $0x1  }
0x109: {  	v2 =	vmax.f32 v2, $0.0e+00;
	v1 =	vld.idx.msk [tilespmem:v1+s6+$0x0], $0xffff  }
0x10a: {  	v3 =	vmax.f32 v3, $0.0e+00;
	[tilespmem:s12+$0xFFFFFFE0] =	vst v2;
	v0 =	vld.idx.msk [tilespmem:v0+s6+$0x0], $0xffff  }
0x10b: {  	v2 =	vmax.f32 v5, $0.0e+00;
	[tilespmem:s12+$0xFFFFFFF0] =	vst v3;
	v3 =	vld.idx.msk [tilespmem:v8+s6+$0x0], $0xffff  }
0x10c: {  	[tilespmem:s17+$0x0] =	vst v2;
	v4 =	vmax.f32 v4, $0.0e+00;
	v2 =	vld.idx.msk [tilespmem:v6+s6+$0x0], $0xffff  }
0x10d: {  	s3 =	sadd.s32 $0x50, s12;
	v5 =	vmax.f32 v7, $0.0e+00;
	[tilespmem:s17+$0x10] =	vst v4  }
0x10e: {  	[tilespmem:s3+$0x20] =	vst v5;
	v1 =	vmax.f32 v1, $0.0e+00  }
0x10f: {  	[tilespmem:s3+$0xFFFFFFF0] =	vst v1;
	v0 =	vmax.f32 v0, $0.0e+00  }
0x110: {  	s20 =	sadd.s32 s1, s11;
	[tilespmem:s3+$0xFFFFFFE0] =	vst v0;
	v0 =	vmax.f32 v3, $0.0e+00  }
0x111: {  	s12 =	sshrl.u32 s20, $0x3;
	v1 =	vmax.f32 v2, $0.0e+00;
	[tilespmem:s3+$0x0] =	vst v0  }
0x112: {  	s20 =	simm.s32 $0x10000;
	s17 =	sadd.s32 s5, s12;
	[tilespmem:s3+$0x10] =	vst v1;
	s3 =	sadd.s32 @!p1 s1, s24  }
0x113: {  	[hbm4b:s17+s6] =	stream.linear.scatter [tilespmem:s20], [sflag:$0xD], $0xFA0, $0x38;
	[tilespmem:$0x13000] =	vst v63  }
0x114: {  	s3 =	sshrl.u32 @!p1 s3, $0x3  }
0x115: {  	s17 =	simm.s32 @!p1 $0x0;
	s20 =	simm.s32 @!p1 $0x6000;
	s12 =	sadd.s32 @!p1 s2, s3  }
0x116: {  	[tilespmem:s20], [sflag:$0x3] =	stream.linear.gather @!p1 [hbm4b:s12+s17], $0xFA0, $0x38;
	[tilespmem:$0x13000] =	vst v63  }
0x117: {  	s3 =	sadd.s32 @!p1 s4, s3;
	s12 =	simm.s32 @!p1 $0xB000  }
0x118: {  	[tilespmem:s12], [sflag:$0x8] =	stream.linear.gather @!p1 [hbm4b:s3+s17], $0xFA0, $0x38;
	[tilespmem:$0x13000] =	vst v63  }
0x119: {  	_ =	swait.ge [sflag:s18], $0xFA0  }
0x11a: {  	[sflag:s18] =	ssyncset.done $0x0  }
0x11b: {  	[sflag:s18] =	ssyncadd.s32 $0xFFFFF060  }
0x11c: {  	_ =	swait.ge [sflag:s19], $0xFA0  }
0x11d: {  	[sflag:s19] =	ssyncset.done $0x0  }
0x11e: {  	s3 =	simm.s32 @!p0 $0xE;
	[sflag:s19] =	ssyncadd.s32 $0xFFFFF060  }
0x11f: {  	_ =	swait.ge @!p0 [sflag:s3], $0xFA0  }
0x120: {  	[sflag:s3] =	ssyncset.done @!p0 $0x0  }
0x121: {  	s12 =	simm.s32 $0x7020;
	[sflag:s3] =	ssyncadd.s32 @!p0 $0xFFFFF060  }
0x122: {  	s17 =	simm.s32 $0xC020;
	v0 =	vld [tilespmem:s12+$0x20]  }
0x123: {  	v1 =	vld [tilespmem:s17+$0x20];
	_ =	sdelay $0x3  }
0x124: {  	v2 =	vld [tilespmem:s17+$0xFFFFFFE0]  }
0x125: {  	v3 =	vld [tilespmem:s12+$0xFFFFFFF0];
	vm0 =	vlt.s32 v0, v1  }
0x126: {  	v5 =	vld [tilespmem:s17+$0xFFFFFFF0];
	v4 =	vsel vm0, v0, v1  }
0x127: {  	v6 =	vld [tilespmem:s12+$0x10];
	v0 =	vsel vm0, v1, v0;
	v1 =	vshll.u32 v4, $0x7  }
0x128: {  	v7 =	vld [tilespmem:s12+$0xFFFFFFE0];
	v0 =	vadd.s32 v0, v1  }
0x129: {  	v8 =	vld [tilespmem:s17+$0x10]  }
0x12a: {  	v4 =	vld [tilespmem:s12+$0x0]  }
0x12b: {  	s20 =	simm.s32 $0x7070;
	v1 =	vld [tilespmem:s17+$0x0]  }
0x12c: {  	v10 =	vld [tilespmem:s20+$0x20]  }
0x12d: {  	s3 =	simm.s32 $0xC070;
	vm0 =	vlt.s32 v3, v5;
	v9 =	vld.idx.msk [tilespmem:v0+s6+$0x0], $0xffff  }
0x12e: {  	vm1 =	vgt.s32 v7, v2;
	v0 =	vsel vm0, v3, v5;
	v3 =	vsel vm0, v5, v3;
	v5 =	vld [tilespmem:s3+$0x20]  }
0x12f: {  	v13 =	vld [tilespmem:s20+$0xFFFFFFF0];
	v62 =	vsel vm1, v2, v7;
	v11 =	vshll.u32 v0, $0x7  }
0x130: {  	v14 =	vld [tilespmem:s20+$0x10];
	v2 =	vsel vm1, v7, v2;
	vm0 =	vlt.s32 v4, v1;
	v3 =	vadd.s32 v3, v11  }
0x131: {  	v7 =	vld [tilespmem:s3+$0xFFFFFFF0];
	v11 =	vsel vm0, v4, v1;
	v1 =	vsel vm0, v1, v4;
	v4 =	vshll.u32 v62, $0x7  }
0x132: {  	v15 =	vld [tilespmem:s3+$0x10];
	vm0 =	vlt.s32 v6, v8;
	v11 =	vshll.u32 v11, $0x7;
	v2 =	vadd.s32 v2, v4  }
0x133: {  	v4 =	vld [tilespmem:s20+$0x0];
	v63 =	vsel vm0, v6, v8;
	v6 =	vsel vm0, v8, v6;
	vm0 =	vlt.s32 v10, v5  }
0x134: {  	v8 =	vld [tilespmem:s3+$0x0];
	v12 =	vshll.u32 v63, $0x7;
	v11 =	vadd.s32 v1, v11;
	v1 =	vsel vm0, v10, v5  }
0x135: {  	v0 =	vld [tilespmem:s3+$0xFFFFFFE0];
	v12 =	vadd.s32 v6, v12;
	v5 =	vsel vm0, v5, v10;
	v1 =	vshll.u32 v1, $0x7  }
0x136: {  	v6 =	vld [tilespmem:s20+$0xFFFFFFE0];
	vm0 =	vlt.s32 v13, v7;
	v16 =	vadd.s32 v5, v1  }
0x137: {  	v3 =	vld.idx.msk [tilespmem:v3+s6+$0x0], $0xffff;
	v1 =	vsel vm0, v13, v7  }
0x138: {  	vm1 =	vlt.s32 v14, v15;
	v2 =	vld.idx.msk [tilespmem:v2+s6+$0x0], $0xffff;
	v5 =	vsel vm0, v7, v13;
	v1 =	vshll.u32 v1, $0x7  }
0x139: {  	v10 =	vsel vm1, v15, v14;
	vm0 =	vlt.s32 v4, v8;
	v1 =	vadd.s32 v5, v1;
	v5 =	vld.idx.msk [tilespmem:v11+s6+$0x0], $0xffff  }
0x13a: {  	s12 =	simm.s32 $0x11020;
	v7 =	vmax.f32 v9, $0.0e+00;
	v9 =	vsel vm0, v4, v8;
	v8 =	vsel vm0, v8, v4;
	v4 =	vld.idx.msk [tilespmem:v12+s6+$0x0], $0xffff  }
0x13b: {  	s29 =	simm.s32 $0x70C0;
	s17 =	simm.s32 $0x11020;
	s20 =	simm.s32 $0x5;
	[tilespmem:s12+$0x20] =	vst v7;
	v9 =	vshll.u32 v9, $0x7;
	vm0 =	vgt.s32 v6, v0;
	v11 =	vsel vm1, v14, v15;
	v7 =	vld.idx.msk [tilespmem:v16+s6+$0x0], $0xffff  }
.LBB2_9:
0x13c: {  	v12 =	vld [tilespmem:s29+$0x20];
	v13 =	vsel vm0, v0, v6;
	v6 =	vsel vm0, v6, v0;
	v0 =	vshll.u32 v11, $0x7;
	s3 =	sadd.s32 $0x50, s3  }
0x13d: {  	s20 =	sadd.s32 $0x5, s20;
	v9 =	vadd.s32 v8, v9;
	v11 =	vld [tilespmem:s3+$0x20];
	v13 =	vshll.u32 v13, $0x7;
	v10 =	vadd.s32 v10, v0  }
0x13e: {  	v2 =	vmax.f32 v2, $0.0e+00;
	p2 =	slt.u32 s20, $0xF5;
	v3 =	vmax.f32 v3, $0.0e+00;
	v0 =	vld [tilespmem:s3+$0xFFFFFFE0];
	v8 =	vadd.s32 v6, v13  }
0x13f: {  	v13 =	vld [tilespmem:s29+$0xFFFFFFF0];
	[tilespmem:s12+$0xFFFFFFE0] =	vst v2;
	v2 =	vmax.f32 v5, $0.0e+00  }
0x140: {  	v5 =	vld [tilespmem:s3+$0xFFFFFFF0];
	[tilespmem:s12+$0xFFFFFFF0] =	vst v3;
	v3 =	vmax.f32 v4, $0.0e+00  }
0x141: {  	v6 =	vmax.f32 v7, $0.0e+00;
	s12 =	sadd.s32 $0x50, s12;
	v4 =	vld [tilespmem:s29+$0x0];
	[tilespmem:s17+$0x0] =	vst v2  }
0x142: {  	v7 =	vld [tilespmem:s3+$0x0];
	vm0 =	vlt.s32 v12, v11;
	[tilespmem:s12+$0x20] =	vst v6  }
0x143: {  	v14 =	vld [tilespmem:s29+$0x10];
	v2 =	vsel vm0, v12, v11;
	[tilespmem:s17+$0x10] =	vst v3;
	s17 =	smov.u32 s12  }
0x144: {  	v3 =	vsel vm0, v11, v12;
	v15 =	vld [tilespmem:s3+$0x10];
	v2 =	vshll.u32 v2, $0x7  }
0x145: {  	v6 =	vld [tilespmem:s29+$0xFFFFFFE0];
	vm0 =	vlt.s32 v13, v5;
	v12 =	vadd.s32 v3, v2  }
.Ltmp5:
0x146: {  	v3 =	vsel vm0, v13, v5;
	v5 =	vsel vm0, v5, v13;
	v2 =	vld.idx.msk [tilespmem:v8+s6+$0x0], $0xffff;
	(pc) =	sbr.rel @p2 .LBB2_9-.Ltmp5, $4  }
0x147: {  	v8 =	vshll.u32 v3, $0x7;
	vm0 =	vlt.s32 v4, v7;
	v3 =	vld.idx.msk [tilespmem:v1+s6+$0x0], $0xffff  }
0x148: {  	v1 =	vadd.s32 v5, v8;
	v11 =	vsel vm0, v4, v7;
	v8 =	vsel vm0, v7, v4;
	v5 =	vld.idx.msk [tilespmem:v9+s6+$0x0], $0xffff  }
0x149: {  	v9 =	vshll.u32 v11, $0x7;
	vm1 =	vlt.s32 v14, v15;
	v4 =	vld.idx.msk [tilespmem:v10+s6+$0x0], $0xffff  }
0x14a: {  	s29 =	sadd.s32 $0x50, s29;
	vm0 =	vgt.s32 v6, v0;
	v11 =	vsel vm1, v14, v15;
	v10 =	vsel vm1, v15, v14;
	v7 =	vld.idx.msk [tilespmem:v12+s6+$0x0], $0xffff  }
0x14b: {  	v12 =	vsel vm0, v0, v6  }
0x14c: {  	v0 =	vsel vm0, v6, v0;
	v6 =	vshll.u32 v12, $0x7  }
0x14d: {  	v0 =	vadd.s32 v0, v6  }
0x14e: {  	v8 =	vadd.s32 v8, v9;
	v6 =	vshll.u32 v11, $0x7  }
0x14f: {  	v6 =	vadd.s32 v10, v6;
	_ =	sdelay $0x1  }
0x150: {  	v2 =	vmax.f32 v2, $0.0e+00;
	v1 =	vld.idx.msk [tilespmem:v1+s6+$0x0], $0xffff  }
0x151: {  	v3 =	vmax.f32 v3, $0.0e+00;
	[tilespmem:s12+$0xFFFFFFE0] =	vst v2;
	v0 =	vld.idx.msk [tilespmem:v0+s6+$0x0], $0xffff  }
0x152: {  	v2 =	vmax.f32 v5, $0.0e+00;
	[tilespmem:s12+$0xFFFFFFF0] =	vst v3;
	v3 =	vld.idx.msk [tilespmem:v8+s6+$0x0], $0xffff  }
0x153: {  	[tilespmem:s17+$0x0] =	vst v2;
	v4 =	vmax.f32 v4, $0.0e+00;
	v2 =	vld.idx.msk [tilespmem:v6+s6+$0x0], $0xffff  }
0x154: {  	s3 =	sadd.s32 $0x50, s12;
	v5 =	vmax.f32 v7, $0.0e+00;
	[tilespmem:s17+$0x10] =	vst v4  }
0x155: {  	[tilespmem:s3+$0x20] =	vst v5;
	v1 =	vmax.f32 v1, $0.0e+00  }
0x156: {  	[tilespmem:s3+$0xFFFFFFF0] =	vst v1;
	v0 =	vmax.f32 v0, $0.0e+00  }
0x157: {  	s20 =	sadd.s32 s1, s15;
	[tilespmem:s3+$0xFFFFFFE0] =	vst v0;
	v0 =	vmax.f32 v3, $0.0e+00  }
0x158: {  	s12 =	sshrl.u32 s20, $0x3;
	v1 =	vmax.f32 v2, $0.0e+00;
	[tilespmem:s3+$0x0] =	vst v0  }
0x159: {  	s20 =	simm.s32 $0x11000;
	s17 =	sadd.s32 s5, s12;
	[tilespmem:s3+$0x10] =	vst v1;
	s3 =	sadd.s32 @!p1 s1, s26  }
0x15a: {  	[hbm4b:s17+s6] =	stream.linear.scatter [tilespmem:s20], [sflag:$0xE], $0xFA0, $0x38;
	[tilespmem:$0x13000] =	vst v63  }
0x15b: {  	s3 =	sshrl.u32 @!p1 s3, $0x3  }
0x15c: {  	s17 =	simm.s32 @!p1 $0x0;
	s20 =	simm.s32 @!p1 $0x7000;
	s12 =	sadd.s32 @!p1 s2, s3  }
0x15d: {  	[tilespmem:s20], [sflag:$0x4] =	stream.linear.gather @!p1 [hbm4b:s12+s17], $0xFA0, $0x38;
	[tilespmem:$0x13000] =	vst v63  }
0x15e: {  	s3 =	sadd.s32 @!p1 s4, s3;
	s12 =	simm.s32 @!p1 $0xC000  }
0x15f: {  	[tilespmem:s12], [sflag:$0x9] =	stream.linear.gather @!p1 [hbm4b:s3+s17], $0xFA0, $0x38;
	[tilespmem:$0x13000] =	vst v63  }
0x160: {  	_ =	swait.ge [sflag:s21], $0xFA0  }
0x161: {  	[sflag:s21] =	ssyncset.done $0x0  }
0x162: {  	[sflag:s21] =	ssyncadd.s32 $0xFFFFF060  }
0x163: {  	_ =	swait.ge [sflag:s25], $0xFA0  }
0x164: {  	[sflag:s25] =	ssyncset.done $0x0  }
0x165: {  	s3 =	simm.s32 @!p0 $0xF;
	[sflag:s25] =	ssyncadd.s32 $0xFFFFF060  }
0x166: {  	_ =	swait.ge @!p0 [sflag:s3], $0xFA0  }
0x167: {  	[sflag:s3] =	ssyncset.done @!p0 $0x0  }
0x168: {  	s12 =	simm.s32 $0x8020;
	[sflag:s3] =	ssyncadd.s32 @!p0 $0xFFFFF060  }
0x169: {  	s17 =	simm.s32 $0xD020;
	v0 =	vld [tilespmem:s12+$0x20]  }
0x16a: {  	v1 =	vld [tilespmem:s17+$0x20];
	_ =	sdelay $0x3  }
0x16b: {  	v2 =	vld [tilespmem:s17+$0xFFFFFFE0]  }
0x16c: {  	v3 =	vld [tilespmem:s12+$0xFFFFFFF0];
	vm0 =	vlt.s32 v0, v1  }
0x16d: {  	v5 =	vld [tilespmem:s17+$0xFFFFFFF0];
	v4 =	vsel vm0, v0, v1  }
0x16e: {  	v6 =	vld [tilespmem:s12+$0x10];
	v0 =	vsel vm0, v1, v0;
	v1 =	vshll.u32 v4, $0x7  }
0x16f: {  	v7 =	vld [tilespmem:s12+$0xFFFFFFE0];
	v0 =	vadd.s32 v0, v1  }
0x170: {  	v8 =	vld [tilespmem:s17+$0x10]  }
0x171: {  	v4 =	vld [tilespmem:s12+$0x0]  }
0x172: {  	s20 =	simm.s32 $0x8070;
	v1 =	vld [tilespmem:s17+$0x0]  }
0x173: {  	v10 =	vld [tilespmem:s20+$0x20]  }
0x174: {  	s3 =	simm.s32 $0xD070;
	vm0 =	vlt.s32 v3, v5;
	v9 =	vld.idx.msk [tilespmem:v0+s6+$0x0], $0xffff  }
0x175: {  	vm1 =	vgt.s32 v7, v2;
	v0 =	vsel vm0, v3, v5;
	v3 =	vsel vm0, v5, v3;
	v5 =	vld [tilespmem:s3+$0x20]  }
0x176: {  	v13 =	vld [tilespmem:s20+$0xFFFFFFF0];
	v62 =	vsel vm1, v2, v7;
	v11 =	vshll.u32 v0, $0x7  }
0x177: {  	v14 =	vld [tilespmem:s20+$0x10];
	v2 =	vsel vm1, v7, v2;
	vm0 =	vlt.s32 v4, v1;
	v3 =	vadd.s32 v3, v11  }
0x178: {  	v7 =	vld [tilespmem:s3+$0xFFFFFFF0];
	v11 =	vsel vm0, v4, v1;
	v1 =	vsel vm0, v1, v4;
	v4 =	vshll.u32 v62, $0x7  }
0x179: {  	v15 =	vld [tilespmem:s3+$0x10];
	vm0 =	vlt.s32 v6, v8;
	v11 =	vshll.u32 v11, $0x7;
	v2 =	vadd.s32 v2, v4  }
0x17a: {  	v4 =	vld [tilespmem:s20+$0x0];
	v63 =	vsel vm0, v6, v8;
	v6 =	vsel vm0, v8, v6;
	vm0 =	vlt.s32 v10, v5  }
0x17b: {  	v8 =	vld [tilespmem:s3+$0x0];
	v12 =	vshll.u32 v63, $0x7;
	v11 =	vadd.s32 v1, v11;
	v1 =	vsel vm0, v10, v5  }
0x17c: {  	v0 =	vld [tilespmem:s3+$0xFFFFFFE0];
	v12 =	vadd.s32 v6, v12;
	v5 =	vsel vm0, v5, v10;
	v1 =	vshll.u32 v1, $0x7  }
0x17d: {  	v6 =	vld [tilespmem:s20+$0xFFFFFFE0];
	vm0 =	vlt.s32 v13, v7;
	v16 =	vadd.s32 v5, v1  }
0x17e: {  	v3 =	vld.idx.msk [tilespmem:v3+s6+$0x0], $0xffff;
	v1 =	vsel vm0, v13, v7  }
0x17f: {  	vm1 =	vlt.s32 v14, v15;
	v2 =	vld.idx.msk [tilespmem:v2+s6+$0x0], $0xffff;
	v5 =	vsel vm0, v7, v13;
	v1 =	vshll.u32 v1, $0x7  }
0x180: {  	v10 =	vsel vm1, v15, v14;
	vm0 =	vlt.s32 v4, v8;
	v1 =	vadd.s32 v5, v1;
	v5 =	vld.idx.msk [tilespmem:v11+s6+$0x0], $0xffff  }
0x181: {  	s12 =	simm.s32 $0x12020;
	v7 =	vmax.f32 v9, $0.0e+00;
	v9 =	vsel vm0, v4, v8;
	v8 =	vsel vm0, v8, v4;
	v4 =	vld.idx.msk [tilespmem:v12+s6+$0x0], $0xffff  }
0x182: {  	s29 =	simm.s32 $0x80C0;
	s17 =	simm.s32 $0x12020;
	s20 =	simm.s32 $0x5;
	[tilespmem:s12+$0x20] =	vst v7;
	v9 =	vshll.u32 v9, $0x7;
	vm0 =	vgt.s32 v6, v0;
	v11 =	vsel vm1, v14, v15;
	v7 =	vld.idx.msk [tilespmem:v16+s6+$0x0], $0xffff  }
.LBB2_11:
0x183: {  	v12 =	vld [tilespmem:s29+$0x20];
	v13 =	vsel vm0, v0, v6;
	v6 =	vsel vm0, v6, v0;
	v0 =	vshll.u32 v11, $0x7;
	s3 =	sadd.s32 $0x50, s3  }
0x184: {  	s20 =	sadd.s32 $0x5, s20;
	v9 =	vadd.s32 v8, v9;
	v11 =	vld [tilespmem:s3+$0x20];
	v13 =	vshll.u32 v13, $0x7;
	v10 =	vadd.s32 v10, v0  }
0x185: {  	v2 =	vmax.f32 v2, $0.0e+00;
	p0 =	slt.u32 s20, $0xF5;
	v3 =	vmax.f32 v3, $0.0e+00;
	v0 =	vld [tilespmem:s3+$0xFFFFFFE0];
	v8 =	vadd.s32 v6, v13  }
0x186: {  	v13 =	vld [tilespmem:s29+$0xFFFFFFF0];
	[tilespmem:s12+$0xFFFFFFE0] =	vst v2;
	v2 =	vmax.f32 v5, $0.0e+00  }
0x187: {  	v5 =	vld [tilespmem:s3+$0xFFFFFFF0];
	[tilespmem:s12+$0xFFFFFFF0] =	vst v3;
	v3 =	vmax.f32 v4, $0.0e+00  }
0x188: {  	v6 =	vmax.f32 v7, $0.0e+00;
	s12 =	sadd.s32 $0x50, s12;
	v4 =	vld [tilespmem:s29+$0x0];
	[tilespmem:s17+$0x0] =	vst v2  }
0x189: {  	v7 =	vld [tilespmem:s3+$0x0];
	vm0 =	vlt.s32 v12, v11;
	[tilespmem:s12+$0x20] =	vst v6  }
0x18a: {  	v14 =	vld [tilespmem:s29+$0x10];
	v2 =	vsel vm0, v12, v11;
	[tilespmem:s17+$0x10] =	vst v3;
	s17 =	smov.u32 s12  }
0x18b: {  	v3 =	vsel vm0, v11, v12;
	v15 =	vld [tilespmem:s3+$0x10];
	v2 =	vshll.u32 v2, $0x7  }
0x18c: {  	v6 =	vld [tilespmem:s29+$0xFFFFFFE0];
	vm0 =	vlt.s32 v13, v5;
	v12 =	vadd.s32 v3, v2  }
.Ltmp6:
0x18d: {  	v3 =	vsel vm0, v13, v5;
	v5 =	vsel vm0, v5, v13;
	v2 =	vld.idx.msk [tilespmem:v8+s6+$0x0], $0xffff;
	(pc) =	sbr.rel @p0 .LBB2_11-.Ltmp6, $4  }
0x18e: {  	v8 =	vshll.u32 v3, $0x7;
	vm0 =	vlt.s32 v4, v7;
	v3 =	vld.idx.msk [tilespmem:v1+s6+$0x0], $0xffff  }
0x18f: {  	v1 =	vadd.s32 v5, v8;
	v11 =	vsel vm0, v4, v7;
	v8 =	vsel vm0, v7, v4;
	v5 =	vld.idx.msk [tilespmem:v9+s6+$0x0], $0xffff  }
0x190: {  	v9 =	vshll.u32 v11, $0x7;
	vm1 =	vlt.s32 v14, v15;
	v4 =	vld.idx.msk [tilespmem:v10+s6+$0x0], $0xffff  }
0x191: {  	s29 =	sadd.s32 $0x50, s29;
	vm0 =	vgt.s32 v6, v0;
	v11 =	vsel vm1, v14, v15;
	v10 =	vsel vm1, v15, v14;
	v7 =	vld.idx.msk [tilespmem:v12+s6+$0x0], $0xffff  }
0x192: {  	v12 =	vsel vm0, v0, v6;
	v57 =	vshll.u32 v11, $0x7;
	v8 =	vadd.s32 v8, v9  }
0x193: {  	v55 =	vsel vm0, v6, v0;
	v56 =	vshll.u32 v12, $0x7;
	v6 =	vadd.s32 v10, v57  }
0x194: {  	v0 =	vadd.s32 v55, v56;
	_ =	sdelay $0x1  }
0x195: {  	v2 =	vmax.f32 v2, $0.0e+00;
	v1 =	vld.idx.msk [tilespmem:v1+s6+$0x0], $0xffff  }
0x196: {  	v3 =	vmax.f32 v3, $0.0e+00;
	[tilespmem:s12+$0xFFFFFFE0] =	vst v2;
	v59 =	vld.idx.msk [tilespmem:v8+s6+$0x0], $0xffff  }
0x197: {  	v58 =	vmax.f32 v5, $0.0e+00;
	[tilespmem:s12+$0xFFFFFFF0] =	vst v3;
	v61 =	vld.idx.msk [tilespmem:v6+s6+$0x0], $0xffff  }
0x198: {  	[tilespmem:s17+$0x0] =	vst v58;
	v4 =	vmax.f32 v4, $0.0e+00;
	v0 =	vld.idx.msk [tilespmem:v0+s6+$0x0], $0xffff  }
0x199: {  	s3 =	sadd.s32 $0x50, s12;
	v60 =	vmax.f32 v7, $0.0e+00;
	[tilespmem:s17+$0x10] =	vst v4  }
0x19a: {  	[tilespmem:s3+$0x20] =	vst v60;
	v1 =	vmax.f32 v1, $0.0e+00  }
.Ltmp7:
0x19b: {  	[tilespmem:s3+$0xFFFFFFF0] =	vst v1;
	v62 =	vmax.f32 v59, $0.0e+00;
	(pc) =	sbr.rel @p1 .LBB2_14-.Ltmp7, $4  }
0x19c: {  	s17 =	sadd.s32 s1, s16;
	v63 =	vmax.f32 v61, $0.0e+00;
	[tilespmem:s3+$0x0] =	vst v62  }
0x19d: {  	s12 =	sshrl.u32 s17, $0x3;
	v0 =	vmax.f32 v0, $0.0e+00;
	[tilespmem:s3+$0x10] =	vst v63  }
0x19e: {  	s29 =	simm.s32 $0x12000;
	s20 =	sadd.s32 s5, s12;
	[tilespmem:s3+$0xFFFFFFE0] =	vst v0  }
0x19f: {  	[hbm4b:s20+s6] =	stream.linear.scatter [tilespmem:s29], [sflag:$0xF], $0xFA0, $0x38;
	[tilespmem:$0x13000] =	vst v63  }
0x1a0: {  	s1 =	sadd.s32 s1, s28  }
.Ltmp8:
0x1a1: {  	s1 =	sshrl.u32 s1, $0x3;
	(pc) =	sbr.rel .LBB2_2-.Ltmp8, $4  }
0x1a2: {  	s12 =	simm.s32 $0x8000;
	s3 =	sadd.s32 s2, s1  }
0x1a3: {  	[tilespmem:s12], [sflag:$0x5] =	stream.linear.gather [hbm4b:s3+s6], $0xFA0, $0x38;
	[tilespmem:$0x13000] =	vst v63  }
0x1a4: {  	s29 =	simm.s32 $0xD000;
	s0 =	sadd.s32 $0x1, s0;
	s1 =	sadd.s32 s4, s1  }
0x1a5: {  	[tilespmem:s29], [sflag:$0xA] =	stream.linear.gather [hbm4b:s1+s6], $0xFA0, $0x38;
	[tilespmem:$0x13000] =	vst v63  }
.LBB2_15:
0x1a6: {  	_ =	sfence.sel $0x180000  }
0x1a7: {  	[bflag:$0x0] =	sbarrier.arrive $0xFFFF  }
0x1a8: {  	_ =	strace $0x90000047  }
0x1a9: {  	s0 =	stileid.u32;
	[bflag:$0x2] =	sbarrier.arrive $0xFFFF  }
0x1aa: {  	p0 =	sne.s32 s0, $0x0;
	s0 =	rddreg [dreg:$0x4]  }
0x1ab: {  	s0 =	sadd.s32 @!p0 $0x100000, s0  }
0x1ac: {  	[sflag:s0] =	ssyncadd.tile.s32 @!p0 $0x1;
	_ =	shalt  }
.Lfunc_end2:
_tile_overlayer_lowered:
.L_overlay_start_2:
0x1ad: {  	(tag) =	ssettag $0x2  }
0x1ae: {  	s0 =	rddreg [dreg:$0x0];
	s2 =	stileid.u32  }
0x1af: {  	s1 =	rddreg [dreg:$0x1];
	p0 =	sne.s32 s2, $0x0  }
0x1b0: {  	s3 =	rddreg [dreg:$0x2];
	[bflag:$0x3] =	sbarrier.arrive $0xFFFF;
	s2 =	simm.s32 @!p0 $0x1C10  }
0x1b1: {  	[timem:s3], [sflag:s2] =	dma.local @!p0 [hbm:s0], s1  }
0x1b2: {  	s0 =	simm.s32 @!p0 $0x10  }
0x1b3: {  	_ =	swait.ge @!p0 [sflag:s0], s1  }
0x1b4: {  	s1 =	ssub.s32 @!p0 $0x0, s1;
	[sflag:s0] =	ssyncset.done @!p0 $0x0  }
0x1b5: {  	[sflag:s0] =	ssyncadd.s32 @!p0 s1  }
0x1b6: {  	[bflag:$0x3] =	sbarrier.arrive $0xFFFF  }
0x1b7: {  	_ =	shalt  }

</sc_bundles>
